<compile_context>
chip_gen: v7x
topology: tpu7x:2x2x1
jax: 0.10.2.dev20260603
libtpu: 0.0.44.dev20260713+nightly
codegen_flags: <defaults>
</compile_context>

<pallas_src>
import functools

import jax
import jax.numpy as jnp
from jax import lax
from jax.experimental import pallas as pl
from jax.experimental.pallas import tpu as pltpu
from jax.experimental.pallas import tpu_sc as plsc

_V = 40
_D = 128
_CHUNK = 128
_NB = 5
_NW = 32
_STEPS = 200
_Q = _STEPS // _NB
_BPW = _STEPS * _CHUNK


def _make_sc_gather():
    mesh = plsc.VectorSubcoreMesh(core_axis_name="c", subcore_axis_name="s")

    @functools.partial(
        pl.kernel,
        mesh=mesh,
        out_type=jax.ShapeDtypeStruct((_NW, _BPW, _D), jnp.float32),
        scratch_types=[
            pltpu.VMEM_SHARED((_V, _D), jnp.float32),
            pltpu.VMEM((_STEPS, _CHUNK), jnp.int32),
            pltpu.VMEM((_NB, _CHUNK, _D), jnp.float32),
            pltpu.SemaphoreType.DMA,
        ] + [pltpu.SemaphoreType.DMA] * _NB,
    )
    def sc_gather(table_hbm, idx_hbm, out_hbm, tbl_s, idx_v, rows_v, g_sem,
                  *w_sems):
        sid = lax.axis_index("s")
        wid = sid * 2 + lax.axis_index("c")

        @pl.when(sid == 0)
        def _():
            pltpu.sync_copy(table_hbm, tbl_s)

        pltpu.sync_copy(idx_hbm.at[wid], idx_v)
        plsc.subcore_barrier()

        def issue_gather(j, u):
            pltpu.async_copy(tbl_s.at[idx_v.at[j]], rows_v.at[u], g_sem)

        def drain_gather(u):
            pltpu.make_async_copy(
                tbl_s.at[idx_v.at[0]], rows_v.at[u], g_sem).wait()

        def issue_write(j, u):
            pltpu.async_copy(
                rows_v.at[u], out_hbm.at[wid, pl.ds(j * _CHUNK, _CHUNK)],
                w_sems[u])

        def drain_write(u):
            pltpu.make_async_copy(
                rows_v.at[u], out_hbm.at[wid, pl.ds(0, _CHUNK)],
                w_sems[u]).wait()

        issue_gather(0, 0)
        issue_gather(1, 1)

        def qstep(q, carry):
            for u in range(_NB):
                j = _NB * q + u
                drain_gather(u)
                issue_write(j, u)
                un = (u + 2) % _NB

                @pl.when(j >= 3)
                def _():
                    drain_write(un)

                @pl.when(j < _STEPS - 2)
                def _():
                    issue_gather(j + 2, un)

            return carry

        lax.fori_loop(0, _Q, qstep, None)
        for u in ((_STEPS - 3) % _NB, (_STEPS - 2) % _NB, (_STEPS - 1) % _NB):
            drain_write(u)

    return sc_gather


_sc_gather = _make_sc_gather()


def kernel(indices, embeddings):
    b, l = indices.shape
    idx = indices.reshape(_NW, _STEPS, _CHUNK)
    out = _sc_gather(embeddings, idx)
    return out.reshape(b, l, _D)

# --- scband reference (transcript-rebuilt; emitter-appended) ---
"""Pipeline reference for scband-residue-embedding-35407710388632 (READ-ONLY COPY).

The authoritative reference and input builder live on the scoring server;
editing this copy changes nothing except your own understanding.
"""

import jax, jax.numpy as jnp
import numpy as np

# ResidueEmbedding core kernel: the original Keras layer splits protein sequence
# strings into residue tokens, maps each token to an integer id via a static hash
# table (40 entries: 20 amino acids x {internal '*', terminal}), then gathers from
# a cached embedding table of shape [num_residues, embedding_dim]. The string
# splitting / hash lookup are host-side preprocessing; the device kernel is the
# embedding gather, reproduced faithfully here with precomputed integer indices.

NUM_RESIDUES = 40
EMBED_DIM = 128
BATCH = 4096
SEQ_LEN = 200

def setup_inputs(seed: int = 0) -> dict:
    key = jax.random.key(seed)
    k1, k2 = jax.random.split(key)
    indices = jax.random.randint(k1, (BATCH, SEQ_LEN), 0, NUM_RESIDUES, dtype=jnp.int32)
    # cached_embeddings: output of embedder(graph), treated as a learned table
    embeddings = jax.random.normal(k2, (NUM_RESIDUES, EMBED_DIM), dtype=jnp.float32)
    return {"indices": indices, "embeddings": embeddings}

def reference(indices, embeddings):
    # tf.gather(embeddings, indices) -> [B, L, D]
    return jnp.take(embeddings, indices, axis=0)

if __name__ == "__main__":
    import jax
    _d = setup_inputs()
    print(jax.jit(kernel)(*tuple(_d.values())))

</pallas_src>

<mosaic_0001>
#map = affine_map<(d0, d1) -> (0, 0)>
#map1 = affine_map<(d0, d1) -> (0, 0, 0)>
module attributes {stable_mosaic.version = 14 : i64} {
  func.func @sc_gather(%arg0: i32, %arg1: i32, %arg2: memref<40x128xf32, #tpu.memory_space<hbm>>, %arg3: memref<32x200x128xi32, #tpu.memory_space<hbm>>, %arg4: memref<32x25600x128xf32, #tpu.memory_space<hbm>>, %arg5: memref<40x128xf32, #tpu.memory_space<vmem_shared>>, %arg6: memref<200x128xi32, #tpu.memory_space<vmem>>, %arg7: memref<5x128x128xf32, #tpu.memory_space<vmem>>, %arg8: memref<!tpu.dma_semaphore, #tpu.memory_space<semaphore_mem>>, %arg9: memref<!tpu.dma_semaphore, #tpu.memory_space<semaphore_mem>>, %arg10: memref<!tpu.dma_semaphore, #tpu.memory_space<semaphore_mem>>, %arg11: memref<!tpu.dma_semaphore, #tpu.memory_space<semaphore_mem>>, %arg12: memref<!tpu.dma_semaphore, #tpu.memory_space<semaphore_mem>>, %arg13: memref<!tpu.dma_semaphore, #tpu.memory_space<semaphore_mem>>) attributes {dimension_semantics = [#tpu.dimension_semantics<core_parallel>, #tpu.dimension_semantics<subcore_parallel>], iteration_bounds = array<i64: 2, 16>, scalar_prefetch = 0 : i64, scratch_operands = 9 : i64, tpu.core_type = #tpu.core_type<sc_vector_subcore>, window_params = [{transform_indices = #map}, {transform_indices = #map1}, {transform_indices = #map1}]} {
    %mul3A = arith.constant 2 : i32
    %mul3A_0 = arith.muli %arg1, %mul3A : i32
    %add3A = arith.addi %mul3A_0, %arg0 : i32
    %eq3A = arith.constant 0 : i32
    %eq3A_1 = arith.cmpi eq, %arg1, %eq3A : i32
    %convert_element_type3A = arith.extui %eq3A_1 : i1 to i32
    %cond3A = arith.constant 0 : i32
    %cond3A_2 = arith.cmpi ne, %convert_element_type3A, %cond3A : i32
    scf.if %cond3A_2 {
      "tpu.region"() ({
        %run_scoped3A = tpu.sem_alloc : memref<!tpu.dma_semaphore, #tpu.memory_space<semaphore_mem>>
        tpu.enqueue_dma source(%arg2 : memref<40x128xf32, #tpu.memory_space<hbm>>) target(%arg5 : memref<40x128xf32, #tpu.memory_space<vmem_shared>>) target_semaphore(%run_scoped3A : memref<!tpu.dma_semaphore, #tpu.memory_space<semaphore_mem>>)
        tpu.wait_dma2 semaphore(%run_scoped3A : memref<!tpu.dma_semaphore, #tpu.memory_space<semaphore_mem>>) src(%arg2 : memref<40x128xf32, #tpu.memory_space<hbm>>) dst(%arg5 : memref<40x128xf32, #tpu.memory_space<vmem_shared>>)
        tpu.yield
      }) : () -> ()
    } else {
    }
    "tpu.region"() ({
      %run_scoped3A = tpu.sem_alloc : memref<!tpu.dma_semaphore, #tpu.memory_space<semaphore_mem>>
      %dma_start3A_80 = arith.constant 0 : i32
      %dma_start3A_81 = arith.constant 0 : i32
      %dma_start3A_82 = tpu.memref_slice %arg3[%add3A, %dma_start3A_80, %dma_start3A_81] : memref<32x200x128xi32, #tpu.memory_space<hbm>> -> memref<1x200x128xi32, #tpu.memory_space<hbm>>
      %dma_start3A_83 = tpu.memref_squeeze %dma_start3A_82 : memref<1x200x128xi32, #tpu.memory_space<hbm>> -> memref<200x128xi32, #tpu.memory_space<hbm>>
      %dma_start3A_84 = arith.constant 0 : i32
      %dma_start3A_85 = arith.constant 0 : i32
      %dma_start3A_86 = tpu.memref_slice %arg3[%add3A, %dma_start3A_84, %dma_start3A_85] : memref<32x200x128xi32, #tpu.memory_space<hbm>> -> memref<1x200x128xi32, #tpu.memory_space<hbm>>
      %dma_start3A_87 = tpu.memref_squeeze %dma_start3A_86 : memref<1x200x128xi32, #tpu.memory_space<hbm>> -> memref<200x128xi32, #tpu.memory_space<hbm>>
      tpu.enqueue_dma source(%dma_start3A_87 : memref<200x128xi32, #tpu.memory_space<hbm>>) target(%arg6 : memref<200x128xi32, #tpu.memory_space<vmem>>) target_semaphore(%run_scoped3A : memref<!tpu.dma_semaphore, #tpu.memory_space<semaphore_mem>>)
      %dma_wait3A_88 = arith.constant 0 : i32
      %dma_wait3A_89 = arith.constant 0 : i32
      %dma_wait3A_90 = tpu.memref_slice %arg3[%add3A, %dma_wait3A_88, %dma_wait3A_89] : memref<32x200x128xi32, #tpu.memory_space<hbm>> -> memref<1x200x128xi32, #tpu.memory_space<hbm>>
      %dma_wait3A_91 = tpu.memref_squeeze %dma_wait3A_90 : memref<1x200x128xi32, #tpu.memory_space<hbm>> -> memref<200x128xi32, #tpu.memory_space<hbm>>
      %dma_wait3A_92 = arith.constant 0 : i32
      %dma_wait3A_93 = arith.constant 0 : i32
      %dma_wait3A_94 = tpu.memref_slice %arg3[%add3A, %dma_wait3A_92, %dma_wait3A_93] : memref<32x200x128xi32, #tpu.memory_space<hbm>> -> memref<1x200x128xi32, #tpu.memory_space<hbm>>
      %dma_wait3A_95 = tpu.memref_squeeze %dma_wait3A_94 : memref<1x200x128xi32, #tpu.memory_space<hbm>> -> memref<200x128xi32, #tpu.memory_space<hbm>>
      tpu.wait_dma2 semaphore(%run_scoped3A : memref<!tpu.dma_semaphore, #tpu.memory_space<semaphore_mem>>) src(%dma_wait3A_95 : memref<200x128xi32, #tpu.memory_space<hbm>>) dst(%arg6 : memref<200x128xi32, #tpu.memory_space<vmem>>)
      tpu.yield
    }) : () -> ()
    %barrier3A = arith.constant 0 : index
    tpu.barrier barrier_id(%barrier3A)
    %dma_start3A = arith.constant 0 : i32
    %dma_start3A_3 = arith.constant 0 : i32
    %dma_start3A_4 = arith.constant 0 : i32
    %dma_start3A_5 = arith.constant 0 : i32
    %dma_start3A_6 = tpu.memref_slice %arg7[%dma_start3A_3, %dma_start3A_4, %dma_start3A_5] : memref<5x128x128xf32, #tpu.memory_space<vmem>> -> memref<1x128x128xf32, #tpu.memory_space<vmem>>
    %dma_start3A_7 = tpu.memref_squeeze %dma_start3A_6 : memref<1x128x128xf32, #tpu.memory_space<vmem>> -> memref<128x128xf32, #tpu.memory_space<vmem>>
    %dma_start3A_8 = arith.constant 0 : i32
    %dma_start3A_9 = tpu.memref_slice %arg6[%dma_start3A, %dma_start3A_8] : memref<200x128xi32, #tpu.memory_space<vmem>> -> memref<1x128xi32, #tpu.memory_space<vmem>>
    %dma_start3A_10 = tpu.memref_squeeze %dma_start3A_9 : memref<1x128xi32, #tpu.memory_space<vmem>> -> memref<128xi32, #tpu.memory_space<vmem>>
    %dma_start3A_11 = arith.constant 0 : i32
    %dma_start3A_12 = arith.constant 0 : i32
    %dma_start3A_13 = tpu.memref_slice %arg5[%dma_start3A_11, %dma_start3A_12] : memref<40x128xf32, #tpu.memory_space<vmem_shared>> -> memref<40x128xf32, #tpu.memory_space<vmem_shared>>
    tpu.enqueue_indirect_dma source(%dma_start3A_13 : memref<40x128xf32, #tpu.memory_space<vmem_shared>>) target(%dma_start3A_7 : memref<128x128xf32, #tpu.memory_space<vmem>>) offsets(%dma_start3A_10 : memref<128xi32, #tpu.memory_space<vmem>>) semaphore(%arg8 : memref<!tpu.dma_semaphore, #tpu.memory_space<semaphore_mem>>)
    %dma_start3A_14 = arith.constant 1 : i32
    %dma_start3A_15 = arith.constant 1 : i32
    %dma_start3A_16 = arith.constant 0 : i32
    %dma_start3A_17 = arith.constant 0 : i32
    %dma_start3A_18 = tpu.memref_slice %arg7[%dma_start3A_15, %dma_start3A_16, %dma_start3A_17] : memref<5x128x128xf32, #tpu.memory_space<vmem>> -> memref<1x128x128xf32, #tpu.memory_space<vmem>>
    %dma_start3A_19 = tpu.memref_squeeze %dma_start3A_18 : memref<1x128x128xf32, #tpu.memory_space<vmem>> -> memref<128x128xf32, #tpu.memory_space<vmem>>
    %dma_start3A_20 = arith.constant 0 : i32
    %dma_start3A_21 = tpu.memref_slice %arg6[%dma_start3A_14, %dma_start3A_20] : memref<200x128xi32, #tpu.memory_space<vmem>> -> memref<1x128xi32, #tpu.memory_space<vmem>>
    %dma_start3A_22 = tpu.memref_squeeze %dma_start3A_21 : memref<1x128xi32, #tpu.memory_space<vmem>> -> memref<128xi32, #tpu.memory_space<vmem>>
    %dma_start3A_23 = arith.constant 0 : i32
    %dma_start3A_24 = arith.constant 0 : i32
    %dma_start3A_25 = tpu.memref_slice %arg5[%dma_start3A_23, %dma_start3A_24] : memref<40x128xf32, #tpu.memory_space<vmem_shared>> -> memref<40x128xf32, #tpu.memory_space<vmem_shared>>
    tpu.enqueue_indirect_dma source(%dma_start3A_25 : memref<40x128xf32, #tpu.memory_space<vmem_shared>>) target(%dma_start3A_19 : memref<128x128xf32, #tpu.memory_space<vmem>>) offsets(%dma_start3A_22 : memref<128xi32, #tpu.memory_space<vmem>>) semaphore(%arg8 : memref<!tpu.dma_semaphore, #tpu.memory_space<semaphore_mem>>)
    %scan3A = arith.constant 0 : i32
    %scan3A_26 = arith.constant 40 : i32
    %scan3A_27 = arith.addi %scan3A, %scan3A_26 : i32
    %scan3A_28 = arith.constant 1 : i32
    scf.for %scan3A_80 = %scan3A to %scan3A_27 step %scan3A_28  : i32 {
      %mul3A_81 = arith.constant 5 : i32
      %mul3A_82 = arith.muli %mul3A_81, %scan3A_80 : i32
      %add3A_83 = arith.constant 0 : i32
      %add3A_84 = arith.addi %mul3A_82, %add3A_83 : i32
      %dma_wait3A_85 = arith.constant 0 : i32
      %dma_wait3A_86 = arith.constant 0 : i32
      %dma_wait3A_87 = arith.constant 0 : i32
      %dma_wait3A_88 = arith.constant 0 : i32
      %dma_wait3A_89 = tpu.memref_slice %arg7[%dma_wait3A_86, %dma_wait3A_87, %dma_wait3A_88] : memref<5x128x128xf32, #tpu.memory_space<vmem>> -> memref<1x128x128xf32, #tpu.memory_space<vmem>>
      %dma_wait3A_90 = tpu.memref_squeeze %dma_wait3A_89 : memref<1x128x128xf32, #tpu.memory_space<vmem>> -> memref<128x128xf32, #tpu.memory_space<vmem>>
      %dma_wait3A_91 = arith.constant 0 : i32
      %dma_wait3A_92 = tpu.memref_slice %arg6[%dma_wait3A_85, %dma_wait3A_91] : memref<200x128xi32, #tpu.memory_space<vmem>> -> memref<1x128xi32, #tpu.memory_space<vmem>>
      %dma_wait3A_93 = tpu.memref_squeeze %dma_wait3A_92 : memref<1x128xi32, #tpu.memory_space<vmem>> -> memref<128xi32, #tpu.memory_space<vmem>>
      %dma_wait3A_94 = arith.constant 0 : i32
      %dma_wait3A_95 = arith.constant 0 : i32
      %dma_wait3A_96 = tpu.memref_slice %arg5[%dma_wait3A_94, %dma_wait3A_95] : memref<40x128xf32, #tpu.memory_space<vmem_shared>> -> memref<40x128xf32, #tpu.memory_space<vmem_shared>>
      tpu.wait_indirect_dma semaphore(%arg8 : memref<!tpu.dma_semaphore, #tpu.memory_space<semaphore_mem>>) src(%dma_wait3A_96 : memref<40x128xf32, #tpu.memory_space<vmem_shared>>) dst(%dma_wait3A_90 : memref<128x128xf32, #tpu.memory_space<vmem>>)
      %mul3A_97 = arith.constant 128 : i32
      %mul3A_98 = arith.muli %add3A_84, %mul3A_97 : i32
      %dma_start3A_99 = arith.constant 0 : i32
      %dma_start3A_100 = arith.constant 0 : i32
      %dma_start3A_101 = arith.constant 0 : i32
      %dma_start3A_102 = tpu.memref_slice %arg7[%dma_start3A_99, %dma_start3A_100, %dma_start3A_101] : memref<5x128x128xf32, #tpu.memory_space<vmem>> -> memref<1x128x128xf32, #tpu.memory_space<vmem>>
      %dma_start3A_103 = tpu.memref_squeeze %dma_start3A_102 : memref<1x128x128xf32, #tpu.memory_space<vmem>> -> memref<128x128xf32, #tpu.memory_space<vmem>>
      %dma_start3A_104 = arith.constant 0 : i32
      %dma_start3A_105 = tpu.memref_slice %arg4[%add3A, %mul3A_98, %dma_start3A_104] : memref<32x25600x128xf32, #tpu.memory_space<hbm>> -> memref<1x128x128xf32, #tpu.memory_space<hbm>>
      %dma_start3A_106 = tpu.memref_squeeze %dma_start3A_105 : memref<1x128x128xf32, #tpu.memory_space<hbm>> -> memref<128x128xf32, #tpu.memory_space<hbm>>
      %dma_start3A_107 = arith.constant 0 : i32
      %dma_start3A_108 = tpu.memref_slice %arg4[%add3A, %mul3A_98, %dma_start3A_107] : memref<32x25600x128xf32, #tpu.memory_space<hbm>> -> memref<1x128x128xf32, #tpu.memory_space<hbm>>
      %dma_start3A_109 = tpu.memref_squeeze %dma_start3A_108 : memref<1x128x128xf32, #tpu.memory_space<hbm>> -> memref<128x128xf32, #tpu.memory_space<hbm>>
      %dma_start3A_110 = arith.constant 0 : i32
      %dma_start3A_111 = arith.constant 0 : i32
      %dma_start3A_112 = tpu.memref_slice %arg7[%dma_start3A_99, %dma_start3A_110, %dma_start3A_111] : memref<5x128x128xf32, #tpu.memory_space<vmem>> -> memref<1x128x128xf32, #tpu.memory_space<vmem>>
      %dma_start3A_113 = tpu.memref_squeeze %dma_start3A_112 : memref<1x128x128xf32, #tpu.memory_space<vmem>> -> memref<128x128xf32, #tpu.memory_space<vmem>>
      tpu.enqueue_dma source(%dma_start3A_113 : memref<128x128xf32, #tpu.memory_space<vmem>>) target(%dma_start3A_109 : memref<128x128xf32, #tpu.memory_space<hbm>>) target_semaphore(%arg9 : memref<!tpu.dma_semaphore, #tpu.memory_space<semaphore_mem>>)
      %ge3A = arith.constant 3 : i32
      %ge3A_114 = arith.cmpi sge, %add3A_84, %ge3A : i32
      %convert_element_type3A_115 = arith.extui %ge3A_114 : i1 to i32
      %cond3A_116 = arith.constant 0 : i32
      %cond3A_117 = arith.cmpi ne, %convert_element_type3A_115, %cond3A_116 : i32
      scf.if %cond3A_117 {
        %dma_wait3A_294 = arith.constant 2 : i32
        %dma_wait3A_295 = arith.constant 0 : i32
        %dma_wait3A_296 = arith.constant 0 : i32
        %dma_wait3A_297 = tpu.memref_slice %arg7[%dma_wait3A_294, %dma_wait3A_295, %dma_wait3A_296] : memref<5x128x128xf32, #tpu.memory_space<vmem>> -> memref<1x128x128xf32, #tpu.memory_space<vmem>>
        %dma_wait3A_298 = tpu.memref_squeeze %dma_wait3A_297 : memref<1x128x128xf32, #tpu.memory_space<vmem>> -> memref<128x128xf32, #tpu.memory_space<vmem>>
        %dma_wait3A_299 = arith.constant 0 : i32
        %dma_wait3A_300 = arith.constant 0 : i32
        %dma_wait3A_301 = tpu.memref_slice %arg4[%add3A, %dma_wait3A_299, %dma_wait3A_300] : memref<32x25600x128xf32, #tpu.memory_space<hbm>> -> memref<1x128x128xf32, #tpu.memory_space<hbm>>
        %dma_wait3A_302 = tpu.memref_squeeze %dma_wait3A_301 : memref<1x128x128xf32, #tpu.memory_space<hbm>> -> memref<128x128xf32, #tpu.memory_space<hbm>>
        %dma_wait3A_303 = arith.constant 0 : i32
        %dma_wait3A_304 = arith.constant 0 : i32
        %dma_wait3A_305 = tpu.memref_slice %arg4[%add3A, %dma_wait3A_303, %dma_wait3A_304] : memref<32x25600x128xf32, #tpu.memory_space<hbm>> -> memref<1x128x128xf32, #tpu.memory_space<hbm>>
        %dma_wait3A_306 = tpu.memref_squeeze %dma_wait3A_305 : memref<1x128x128xf32, #tpu.memory_space<hbm>> -> memref<128x128xf32, #tpu.memory_space<hbm>>
        %dma_wait3A_307 = arith.constant 0 : i32
        %dma_wait3A_308 = arith.constant 0 : i32
        %dma_wait3A_309 = tpu.memref_slice %arg7[%dma_wait3A_294, %dma_wait3A_307, %dma_wait3A_308] : memref<5x128x128xf32, #tpu.memory_space<vmem>> -> memref<1x128x128xf32, #tpu.memory_space<vmem>>
        %dma_wait3A_310 = tpu.memref_squeeze %dma_wait3A_309 : memref<1x128x128xf32, #tpu.memory_space<vmem>> -> memref<128x128xf32, #tpu.memory_space<vmem>>
        tpu.wait_dma2 semaphore(%arg11 : memref<!tpu.dma_semaphore, #tpu.memory_space<semaphore_mem>>) src(%dma_wait3A_310 : memref<128x128xf32, #tpu.memory_space<vmem>>) dst(%dma_wait3A_306 : memref<128x128xf32, #tpu.memory_space<hbm>>)
      } else {
      }
      %lt3A = arith.constant 198 : i32
      %lt3A_118 = arith.cmpi slt, %add3A_84, %lt3A : i32
      %convert_element_type3A_119 = arith.extui %lt3A_118 : i1 to i32
      %cond3A_120 = arith.constant 0 : i32
      %cond3A_121 = arith.cmpi ne, %convert_element_type3A_119, %cond3A_120 : i32
      scf.if %cond3A_121 {
        %add3A_294 = arith.constant 2 : i32
        %add3A_295 = arith.addi %add3A_84, %add3A_294 : i32
        %dma_start3A_296 = arith.constant 2 : i32
        %dma_start3A_297 = arith.constant 0 : i32
        %dma_start3A_298 = arith.constant 0 : i32
        %dma_start3A_299 = tpu.memref_slice %arg7[%dma_start3A_296, %dma_start3A_297, %dma_start3A_298] : memref<5x128x128xf32, #tpu.memory_space<vmem>> -> memref<1x128x128xf32, #tpu.memory_space<vmem>>
        %dma_start3A_300 = tpu.memref_squeeze %dma_start3A_299 : memref<1x128x128xf32, #tpu.memory_space<vmem>> -> memref<128x128xf32, #tpu.memory_space<vmem>>
        %dma_start3A_301 = arith.constant 0 : i32
        %dma_start3A_302 = tpu.memref_slice %arg6[%add3A_295, %dma_start3A_301] : memref<200x128xi32, #tpu.memory_space<vmem>> -> memref<1x128xi32, #tpu.memory_space<vmem>>
        %dma_start3A_303 = tpu.memref_squeeze %dma_start3A_302 : memref<1x128xi32, #tpu.memory_space<vmem>> -> memref<128xi32, #tpu.memory_space<vmem>>
        %dma_start3A_304 = arith.constant 0 : i32
        %dma_start3A_305 = arith.constant 0 : i32
        %dma_start3A_306 = tpu.memref_slice %arg5[%dma_start3A_304, %dma_start3A_305] : memref<40x128xf32, #tpu.memory_space<vmem_shared>> -> memref<40x128xf32, #tpu.memory_space<vmem_shared>>
        tpu.enqueue_indirect_dma source(%dma_start3A_306 : memref<40x128xf32, #tpu.memory_space<vmem_shared>>) target(%dma_start3A_300 : memref<128x128xf32, #tpu.memory_space<vmem>>) offsets(%dma_start3A_303 : memref<128xi32, #tpu.memory_space<vmem>>) semaphore(%arg8 : memref<!tpu.dma_semaphore, #tpu.memory_space<semaphore_mem>>)
      } else {
      }
      %mul3A_122 = arith.constant 5 : i32
      %mul3A_123 = arith.muli %mul3A_122, %scan3A_80 : i32
      %add3A_124 = arith.constant 1 : i32
      %add3A_125 = arith.addi %mul3A_123, %add3A_124 : i32
      %dma_wait3A_126 = arith.constant 0 : i32
      %dma_wait3A_127 = arith.constant 1 : i32
      %dma_wait3A_128 = arith.constant 0 : i32
      %dma_wait3A_129 = arith.constant 0 : i32
      %dma_wait3A_130 = tpu.memref_slice %arg7[%dma_wait3A_127, %dma_wait3A_128, %dma_wait3A_129] : memref<5x128x128xf32, #tpu.memory_space<vmem>> -> memref<1x128x128xf32, #tpu.memory_space<vmem>>
      %dma_wait3A_131 = tpu.memref_squeeze %dma_wait3A_130 : memref<1x128x128xf32, #tpu.memory_space<vmem>> -> memref<128x128xf32, #tpu.memory_space<vmem>>
      %dma_wait3A_132 = arith.constant 0 : i32
      %dma_wait3A_133 = tpu.memref_slice %arg6[%dma_wait3A_126, %dma_wait3A_132] : memref<200x128xi32, #tpu.memory_space<vmem>> -> memref<1x128xi32, #tpu.memory_space<vmem>>
      %dma_wait3A_134 = tpu.memref_squeeze %dma_wait3A_133 : memref<1x128xi32, #tpu.memory_space<vmem>> -> memref<128xi32, #tpu.memory_space<vmem>>
      %dma_wait3A_135 = arith.constant 0 : i32
      %dma_wait3A_136 = arith.constant 0 : i32
      %dma_wait3A_137 = tpu.memref_slice %arg5[%dma_wait3A_135, %dma_wait3A_136] : memref<40x128xf32, #tpu.memory_space<vmem_shared>> -> memref<40x128xf32, #tpu.memory_space<vmem_shared>>
      tpu.wait_indirect_dma semaphore(%arg8 : memref<!tpu.dma_semaphore, #tpu.memory_space<semaphore_mem>>) src(%dma_wait3A_137 : memref<40x128xf32, #tpu.memory_space<vmem_shared>>) dst(%dma_wait3A_131 : memref<128x128xf32, #tpu.memory_space<vmem>>)
      %mul3A_138 = arith.constant 128 : i32
      %mul3A_139 = arith.muli %add3A_125, %mul3A_138 : i32
      %dma_start3A_140 = arith.constant 1 : i32
      %dma_start3A_141 = arith.constant 0 : i32
      %dma_start3A_142 = arith.constant 0 : i32
      %dma_start3A_143 = tpu.memref_slice %arg7[%dma_start3A_140, %dma_start3A_141, %dma_start3A_142] : memref<5x128x128xf32, #tpu.memory_space<vmem>> -> memref<1x128x128xf32, #tpu.memory_space<vmem>>
      %dma_start3A_144 = tpu.memref_squeeze %dma_start3A_143 : memref<1x128x128xf32, #tpu.memory_space<vmem>> -> memref<128x128xf32, #tpu.memory_space<vmem>>
      %dma_start3A_145 = arith.constant 0 : i32
      %dma_start3A_146 = tpu.memref_slice %arg4[%add3A, %mul3A_139, %dma_start3A_145] : memref<32x25600x128xf32, #tpu.memory_space<hbm>> -> memref<1x128x128xf32, #tpu.memory_space<hbm>>
      %dma_start3A_147 = tpu.memref_squeeze %dma_start3A_146 : memref<1x128x128xf32, #tpu.memory_space<hbm>> -> memref<128x128xf32, #tpu.memory_space<hbm>>
      %dma_start3A_148 = arith.constant 0 : i32
      %dma_start3A_149 = tpu.memref_slice %arg4[%add3A, %mul3A_139, %dma_start3A_148] : memref<32x25600x128xf32, #tpu.memory_space<hbm>> -> memref<1x128x128xf32, #tpu.memory_space<hbm>>
      %dma_start3A_150 = tpu.memref_squeeze %dma_start3A_149 : memref<1x128x128xf32, #tpu.memory_space<hbm>> -> memref<128x128xf32, #tpu.memory_space<hbm>>
      %dma_start3A_151 = arith.constant 0 : i32
      %dma_start3A_152 = arith.constant 0 : i32
      %dma_start3A_153 = tpu.memref_slice %arg7[%dma_start3A_140, %dma_start3A_151, %dma_start3A_152] : memref<5x128x128xf32, #tpu.memory_space<vmem>> -> memref<1x128x128xf32, #tpu.memory_space<vmem>>
      %dma_start3A_154 = tpu.memref_squeeze %dma_start3A_153 : memref<1x128x128xf32, #tpu.memory_space<vmem>> -> memref<128x128xf32, #tpu.memory_space<vmem>>
      tpu.enqueue_dma source(%dma_start3A_154 : memref<128x128xf32, #tpu.memory_space<vmem>>) target(%dma_start3A_150 : memref<128x128xf32, #tpu.memory_space<hbm>>) target_semaphore(%arg10 : memref<!tpu.dma_semaphore, #tpu.memory_space<semaphore_mem>>)
      %ge3A_155 = arith.constant 3 : i32
      %ge3A_156 = arith.cmpi sge, %add3A_125, %ge3A_155 : i32
      %convert_element_type3A_157 = arith.extui %ge3A_156 : i1 to i32
      %cond3A_158 = arith.constant 0 : i32
      %cond3A_159 = arith.cmpi ne, %convert_element_type3A_157, %cond3A_158 : i32
      scf.if %cond3A_159 {
        %dma_wait3A_294 = arith.constant 3 : i32
        %dma_wait3A_295 = arith.constant 0 : i32
        %dma_wait3A_296 = arith.constant 0 : i32
        %dma_wait3A_297 = tpu.memref_slice %arg7[%dma_wait3A_294, %dma_wait3A_295, %dma_wait3A_296] : memref<5x128x128xf32, #tpu.memory_space<vmem>> -> memref<1x128x128xf32, #tpu.memory_space<vmem>>
        %dma_wait3A_298 = tpu.memref_squeeze %dma_wait3A_297 : memref<1x128x128xf32, #tpu.memory_space<vmem>> -> memref<128x128xf32, #tpu.memory_space<vmem>>
        %dma_wait3A_299 = arith.constant 0 : i32
        %dma_wait3A_300 = arith.constant 0 : i32
        %dma_wait3A_301 = tpu.memref_slice %arg4[%add3A, %dma_wait3A_299, %dma_wait3A_300] : memref<32x25600x128xf32, #tpu.memory_space<hbm>> -> memref<1x128x128xf32, #tpu.memory_space<hbm>>
        %dma_wait3A_302 = tpu.memref_squeeze %dma_wait3A_301 : memref<1x128x128xf32, #tpu.memory_space<hbm>> -> memref<128x128xf32, #tpu.memory_space<hbm>>
        %dma_wait3A_303 = arith.constant 0 : i32
        %dma_wait3A_304 = arith.constant 0 : i32
        %dma_wait3A_305 = tpu.memref_slice %arg4[%add3A, %dma_wait3A_303, %dma_wait3A_304] : memref<32x25600x128xf32, #tpu.memory_space<hbm>> -> memref<1x128x128xf32, #tpu.memory_space<hbm>>
        %dma_wait3A_306 = tpu.memref_squeeze %dma_wait3A_305 : memref<1x128x128xf32, #tpu.memory_space<hbm>> -> memref<128x128xf32, #tpu.memory_space<hbm>>
        %dma_wait3A_307 = arith.constant 0 : i32
        %dma_wait3A_308 = arith.constant 0 : i32
        %dma_wait3A_309 = tpu.memref_slice %arg7[%dma_wait3A_294, %dma_wait3A_307, %dma_wait3A_308] : memref<5x128x128xf32, #tpu.memory_space<vmem>> -> memref<1x128x128xf32, #tpu.memory_space<vmem>>
        %dma_wait3A_310 = tpu.memref_squeeze %dma_wait3A_309 : memref<1x128x128xf32, #tpu.memory_space<vmem>> -> memref<128x128xf32, #tpu.memory_space<vmem>>
        tpu.wait_dma2 semaphore(%arg12 : memref<!tpu.dma_semaphore, #tpu.memory_space<semaphore_mem>>) src(%dma_wait3A_310 : memref<128x128xf32, #tpu.memory_space<vmem>>) dst(%dma_wait3A_306 : memref<128x128xf32, #tpu.memory_space<hbm>>)
      } else {
      }
      %lt3A_160 = arith.constant 198 : i32
      %lt3A_161 = arith.cmpi slt, %add3A_125, %lt3A_160 : i32
      %convert_element_type3A_162 = arith.extui %lt3A_161 : i1 to i32
      %cond3A_163 = arith.constant 0 : i32
      %cond3A_164 = arith.cmpi ne, %convert_element_type3A_162, %cond3A_163 : i32
      scf.if %cond3A_164 {
        %add3A_294 = arith.constant 2 : i32
        %add3A_295 = arith.addi %add3A_125, %add3A_294 : i32
        %dma_start3A_296 = arith.constant 3 : i32
        %dma_start3A_297 = arith.constant 0 : i32
        %dma_start3A_298 = arith.constant 0 : i32
        %dma_start3A_299 = tpu.memref_slice %arg7[%dma_start3A_296, %dma_start3A_297, %dma_start3A_298] : memref<5x128x128xf32, #tpu.memory_space<vmem>> -> memref<1x128x128xf32, #tpu.memory_space<vmem>>
        %dma_start3A_300 = tpu.memref_squeeze %dma_start3A_299 : memref<1x128x128xf32, #tpu.memory_space<vmem>> -> memref<128x128xf32, #tpu.memory_space<vmem>>
        %dma_start3A_301 = arith.constant 0 : i32
        %dma_start3A_302 = tpu.memref_slice %arg6[%add3A_295, %dma_start3A_301] : memref<200x128xi32, #tpu.memory_space<vmem>> -> memref<1x128xi32, #tpu.memory_space<vmem>>
        %dma_start3A_303 = tpu.memref_squeeze %dma_start3A_302 : memref<1x128xi32, #tpu.memory_space<vmem>> -> memref<128xi32, #tpu.memory_space<vmem>>
        %dma_start3A_304 = arith.constant 0 : i32
        %dma_start3A_305 = arith.constant 0 : i32
        %dma_start3A_306 = tpu.memref_slice %arg5[%dma_start3A_304, %dma_start3A_305] : memref<40x128xf32, #tpu.memory_space<vmem_shared>> -> memref<40x128xf32, #tpu.memory_space<vmem_shared>>
        tpu.enqueue_indirect_dma source(%dma_start3A_306 : memref<40x128xf32, #tpu.memory_space<vmem_shared>>) target(%dma_start3A_300 : memref<128x128xf32, #tpu.memory_space<vmem>>) offsets(%dma_start3A_303 : memref<128xi32, #tpu.memory_space<vmem>>) semaphore(%arg8 : memref<!tpu.dma_semaphore, #tpu.memory_space<semaphore_mem>>)
      } else {
      }
      %mul3A_165 = arith.constant 5 : i32
      %mul3A_166 = arith.muli %mul3A_165, %scan3A_80 : i32
      %add3A_167 = arith.constant 2 : i32
      %add3A_168 = arith.addi %mul3A_166, %add3A_167 : i32
      %dma_wait3A_169 = arith.constant 0 : i32
      %dma_wait3A_170 = arith.constant 2 : i32
      %dma_wait3A_171 = arith.constant 0 : i32
      %dma_wait3A_172 = arith.constant 0 : i32
      %dma_wait3A_173 = tpu.memref_slice %arg7[%dma_wait3A_170, %dma_wait3A_171, %dma_wait3A_172] : memref<5x128x128xf32, #tpu.memory_space<vmem>> -> memref<1x128x128xf32, #tpu.memory_space<vmem>>
      %dma_wait3A_174 = tpu.memref_squeeze %dma_wait3A_173 : memref<1x128x128xf32, #tpu.memory_space<vmem>> -> memref<128x128xf32, #tpu.memory_space<vmem>>
      %dma_wait3A_175 = arith.constant 0 : i32
      %dma_wait3A_176 = tpu.memref_slice %arg6[%dma_wait3A_169, %dma_wait3A_175] : memref<200x128xi32, #tpu.memory_space<vmem>> -> memref<1x128xi32, #tpu.memory_space<vmem>>
      %dma_wait3A_177 = tpu.memref_squeeze %dma_wait3A_176 : memref<1x128xi32, #tpu.memory_space<vmem>> -> memref<128xi32, #tpu.memory_space<vmem>>
      %dma_wait3A_178 = arith.constant 0 : i32
      %dma_wait3A_179 = arith.constant 0 : i32
      %dma_wait3A_180 = tpu.memref_slice %arg5[%dma_wait3A_178, %dma_wait3A_179] : memref<40x128xf32, #tpu.memory_space<vmem_shared>> -> memref<40x128xf32, #tpu.memory_space<vmem_shared>>
      tpu.wait_indirect_dma semaphore(%arg8 : memref<!tpu.dma_semaphore, #tpu.memory_space<semaphore_mem>>) src(%dma_wait3A_180 : memref<40x128xf32, #tpu.memory_space<vmem_shared>>) dst(%dma_wait3A_174 : memref<128x128xf32, #tpu.memory_space<vmem>>)
      %mul3A_181 = arith.constant 128 : i32
      %mul3A_182 = arith.muli %add3A_168, %mul3A_181 : i32
      %dma_start3A_183 = arith.constant 2 : i32
      %dma_start3A_184 = arith.constant 0 : i32
      %dma_start3A_185 = arith.constant 0 : i32
      %dma_start3A_186 = tpu.memref_slice %arg7[%dma_start3A_183, %dma_start3A_184, %dma_start3A_185] : memref<5x128x128xf32, #tpu.memory_space<vmem>> -> memref<1x128x128xf32, #tpu.memory_space<vmem>>
      %dma_start3A_187 = tpu.memref_squeeze %dma_start3A_186 : memref<1x128x128xf32, #tpu.memory_space<vmem>> -> memref<128x128xf32, #tpu.memory_space<vmem>>
      %dma_start3A_188 = arith.constant 0 : i32
      %dma_start3A_189 = tpu.memref_slice %arg4[%add3A, %mul3A_182, %dma_start3A_188] : memref<32x25600x128xf32, #tpu.memory_space<hbm>> -> memref<1x128x128xf32, #tpu.memory_space<hbm>>
      %dma_start3A_190 = tpu.memref_squeeze %dma_start3A_189 : memref<1x128x128xf32, #tpu.memory_space<hbm>> -> memref<128x128xf32, #tpu.memory_space<hbm>>
      %dma_start3A_191 = arith.constant 0 : i32
      %dma_start3A_192 = tpu.memref_slice %arg4[%add3A, %mul3A_182, %dma_start3A_191] : memref<32x25600x128xf32, #tpu.memory_space<hbm>> -> memref<1x128x128xf32, #tpu.memory_space<hbm>>
      %dma_start3A_193 = tpu.memref_squeeze %dma_start3A_192 : memref<1x128x128xf32, #tpu.memory_space<hbm>> -> memref<128x128xf32, #tpu.memory_space<hbm>>
      %dma_start3A_194 = arith.constant 0 : i32
      %dma_start3A_195 = arith.constant 0 : i32
      %dma_start3A_196 = tpu.memref_slice %arg7[%dma_start3A_183, %dma_start3A_194, %dma_start3A_195] : memref<5x128x128xf32, #tpu.memory_space<vmem>> -> memref<1x128x128xf32, #tpu.memory_space<vmem>>
      %dma_start3A_197 = tpu.memref_squeeze %dma_start3A_196 : memref<1x128x128xf32, #tpu.memory_space<vmem>> -> memref<128x128xf32, #tpu.memory_space<vmem>>
      tpu.enqueue_dma source(%dma_start3A_197 : memref<128x128xf32, #tpu.memory_space<vmem>>) target(%dma_start3A_193 : memref<128x128xf32, #tpu.memory_space<hbm>>) target_semaphore(%arg11 : memref<!tpu.dma_semaphore, #tpu.memory_space<semaphore_mem>>)
      %ge3A_198 = arith.constant 3 : i32
      %ge3A_199 = arith.cmpi sge, %add3A_168, %ge3A_198 : i32
      %convert_element_type3A_200 = arith.extui %ge3A_199 : i1 to i32
      %cond3A_201 = arith.constant 0 : i32
      %cond3A_202 = arith.cmpi ne, %convert_element_type3A_200, %cond3A_201 : i32
      scf.if %cond3A_202 {
        %dma_wait3A_294 = arith.constant 4 : i32
        %dma_wait3A_295 = arith.constant 0 : i32
        %dma_wait3A_296 = arith.constant 0 : i32
        %dma_wait3A_297 = tpu.memref_slice %arg7[%dma_wait3A_294, %dma_wait3A_295, %dma_wait3A_296] : memref<5x128x128xf32, #tpu.memory_space<vmem>> -> memref<1x128x128xf32, #tpu.memory_space<vmem>>
        %dma_wait3A_298 = tpu.memref_squeeze %dma_wait3A_297 : memref<1x128x128xf32, #tpu.memory_space<vmem>> -> memref<128x128xf32, #tpu.memory_space<vmem>>
        %dma_wait3A_299 = arith.constant 0 : i32
        %dma_wait3A_300 = arith.constant 0 : i32
        %dma_wait3A_301 = tpu.memref_slice %arg4[%add3A, %dma_wait3A_299, %dma_wait3A_300] : memref<32x25600x128xf32, #tpu.memory_space<hbm>> -> memref<1x128x128xf32, #tpu.memory_space<hbm>>
        %dma_wait3A_302 = tpu.memref_squeeze %dma_wait3A_301 : memref<1x128x128xf32, #tpu.memory_space<hbm>> -> memref<128x128xf32, #tpu.memory_space<hbm>>
        %dma_wait3A_303 = arith.constant 0 : i32
        %dma_wait3A_304 = arith.constant 0 : i32
        %dma_wait3A_305 = tpu.memref_slice %arg4[%add3A, %dma_wait3A_303, %dma_wait3A_304] : memref<32x25600x128xf32, #tpu.memory_space<hbm>> -> memref<1x128x128xf32, #tpu.memory_space<hbm>>
        %dma_wait3A_306 = tpu.memref_squeeze %dma_wait3A_305 : memref<1x128x128xf32, #tpu.memory_space<hbm>> -> memref<128x128xf32, #tpu.memory_space<hbm>>
        %dma_wait3A_307 = arith.constant 0 : i32
        %dma_wait3A_308 = arith.constant 0 : i32
        %dma_wait3A_309 = tpu.memref_slice %arg7[%dma_wait3A_294, %dma_wait3A_307, %dma_wait3A_308] : memref<5x128x128xf32, #tpu.memory_space<vmem>> -> memref<1x128x128xf32, #tpu.memory_space<vmem>>
        %dma_wait3A_310 = tpu.memref_squeeze %dma_wait3A_309 : memref<1x128x128xf32, #tpu.memory_space<vmem>> -> memref<128x128xf32, #tpu.memory_space<vmem>>
        tpu.wait_dma2 semaphore(%arg13 : memref<!tpu.dma_semaphore, #tpu.memory_space<semaphore_mem>>) src(%dma_wait3A_310 : memref<128x128xf32, #tpu.memory_space<vmem>>) dst(%dma_wait3A_306 : memref<128x128xf32, #tpu.memory_space<hbm>>)
      } else {
      }
      %lt3A_203 = arith.constant 198 : i32
      %lt3A_204 = arith.cmpi slt, %add3A_168, %lt3A_203 : i32
      %convert_element_type3A_205 = arith.extui %lt3A_204 : i1 to i32
      %cond3A_206 = arith.constant 0 : i32
      %cond3A_207 = arith.cmpi ne, %convert_element_type3A_205, %cond3A_206 : i32
      scf.if %cond3A_207 {
        %add3A_294 = arith.constant 2 : i32
        %add3A_295 = arith.addi %add3A_168, %add3A_294 : i32
        %dma_start3A_296 = arith.constant 4 : i32
        %dma_start3A_297 = arith.constant 0 : i32
        %dma_start3A_298 = arith.constant 0 : i32
        %dma_start3A_299 = tpu.memref_slice %arg7[%dma_start3A_296, %dma_start3A_297, %dma_start3A_298] : memref<5x128x128xf32, #tpu.memory_space<vmem>> -> memref<1x128x128xf32, #tpu.memory_space<vmem>>
        %dma_start3A_300 = tpu.memref_squeeze %dma_start3A_299 : memref<1x128x128xf32, #tpu.memory_space<vmem>> -> memref<128x128xf32, #tpu.memory_space<vmem>>
        %dma_start3A_301 = arith.constant 0 : i32
        %dma_start3A_302 = tpu.memref_slice %arg6[%add3A_295, %dma_start3A_301] : memref<200x128xi32, #tpu.memory_space<vmem>> -> memref<1x128xi32, #tpu.memory_space<vmem>>
        %dma_start3A_303 = tpu.memref_squeeze %dma_start3A_302 : memref<1x128xi32, #tpu.memory_space<vmem>> -> memref<128xi32, #tpu.memory_space<vmem>>
        %dma_start3A_304 = arith.constant 0 : i32
        %dma_start3A_305 = arith.constant 0 : i32
        %dma_start3A_306 = tpu.memref_slice %arg5[%dma_start3A_304, %dma_start3A_305] : memref<40x128xf32, #tpu.memory_space<vmem_shared>> -> memref<40x128xf32, #tpu.memory_space<vmem_shared>>
        tpu.enqueue_indirect_dma source(%dma_start3A_306 : memref<40x128xf32, #tpu.memory_space<vmem_shared>>) target(%dma_start3A_300 : memref<128x128xf32, #tpu.memory_space<vmem>>) offsets(%dma_start3A_303 : memref<128xi32, #tpu.memory_space<vmem>>) semaphore(%arg8 : memref<!tpu.dma_semaphore, #tpu.memory_space<semaphore_mem>>)
      } else {
      }
      %mul3A_208 = arith.constant 5 : i32
      %mul3A_209 = arith.muli %mul3A_208, %scan3A_80 : i32
      %add3A_210 = arith.constant 3 : i32
      %add3A_211 = arith.addi %mul3A_209, %add3A_210 : i32
      %dma_wait3A_212 = arith.constant 0 : i32
      %dma_wait3A_213 = arith.constant 3 : i32
      %dma_wait3A_214 = arith.constant 0 : i32
      %dma_wait3A_215 = arith.constant 0 : i32
      %dma_wait3A_216 = tpu.memref_slice %arg7[%dma_wait3A_213, %dma_wait3A_214, %dma_wait3A_215] : memref<5x128x128xf32, #tpu.memory_space<vmem>> -> memref<1x128x128xf32, #tpu.memory_space<vmem>>
      %dma_wait3A_217 = tpu.memref_squeeze %dma_wait3A_216 : memref<1x128x128xf32, #tpu.memory_space<vmem>> -> memref<128x128xf32, #tpu.memory_space<vmem>>
      %dma_wait3A_218 = arith.constant 0 : i32
      %dma_wait3A_219 = tpu.memref_slice %arg6[%dma_wait3A_212, %dma_wait3A_218] : memref<200x128xi32, #tpu.memory_space<vmem>> -> memref<1x128xi32, #tpu.memory_space<vmem>>
      %dma_wait3A_220 = tpu.memref_squeeze %dma_wait3A_219 : memref<1x128xi32, #tpu.memory_space<vmem>> -> memref<128xi32, #tpu.memory_space<vmem>>
      %dma_wait3A_221 = arith.constant 0 : i32
      %dma_wait3A_222 = arith.constant 0 : i32
      %dma_wait3A_223 = tpu.memref_slice %arg5[%dma_wait3A_221, %dma_wait3A_222] : memref<40x128xf32, #tpu.memory_space<vmem_shared>> -> memref<40x128xf32, #tpu.memory_space<vmem_shared>>
      tpu.wait_indirect_dma semaphore(%arg8 : memref<!tpu.dma_semaphore, #tpu.memory_space<semaphore_mem>>) src(%dma_wait3A_223 : memref<40x128xf32, #tpu.memory_space<vmem_shared>>) dst(%dma_wait3A_217 : memref<128x128xf32, #tpu.memory_space<vmem>>)
      %mul3A_224 = arith.constant 128 : i32
      %mul3A_225 = arith.muli %add3A_211, %mul3A_224 : i32
      %dma_start3A_226 = arith.constant 3 : i32
      %dma_start3A_227 = arith.constant 0 : i32
      %dma_start3A_228 = arith.constant 0 : i32
      %dma_start3A_229 = tpu.memref_slice %arg7[%dma_start3A_226, %dma_start3A_227, %dma_start3A_228] : memref<5x128x128xf32, #tpu.memory_space<vmem>> -> memref<1x128x128xf32, #tpu.memory_space<vmem>>
      %dma_start3A_230 = tpu.memref_squeeze %dma_start3A_229 : memref<1x128x128xf32, #tpu.memory_space<vmem>> -> memref<128x128xf32, #tpu.memory_space<vmem>>
      %dma_start3A_231 = arith.constant 0 : i32
      %dma_start3A_232 = tpu.memref_slice %arg4[%add3A, %mul3A_225, %dma_start3A_231] : memref<32x25600x128xf32, #tpu.memory_space<hbm>> -> memref<1x128x128xf32, #tpu.memory_space<hbm>>
      %dma_start3A_233 = tpu.memref_squeeze %dma_start3A_232 : memref<1x128x128xf32, #tpu.memory_space<hbm>> -> memref<128x128xf32, #tpu.memory_space<hbm>>
      %dma_start3A_234 = arith.constant 0 : i32
      %dma_start3A_235 = tpu.memref_slice %arg4[%add3A, %mul3A_225, %dma_start3A_234] : memref<32x25600x128xf32, #tpu.memory_space<hbm>> -> memref<1x128x128xf32, #tpu.memory_space<hbm>>
      %dma_start3A_236 = tpu.memref_squeeze %dma_start3A_235 : memref<1x128x128xf32, #tpu.memory_space<hbm>> -> memref<128x128xf32, #tpu.memory_space<hbm>>
      %dma_start3A_237 = arith.constant 0 : i32
      %dma_start3A_238 = arith.constant 0 : i32
      %dma_start3A_239 = tpu.memref_slice %arg7[%dma_start3A_226, %dma_start3A_237, %dma_start3A_238] : memref<5x128x128xf32, #tpu.memory_space<vmem>> -> memref<1x128x128xf32, #tpu.memory_space<vmem>>
      %dma_start3A_240 = tpu.memref_squeeze %dma_start3A_239 : memref<1x128x128xf32, #tpu.memory_space<vmem>> -> memref<128x128xf32, #tpu.memory_space<vmem>>
      tpu.enqueue_dma source(%dma_start3A_240 : memref<128x128xf32, #tpu.memory_space<vmem>>) target(%dma_start3A_236 : memref<128x128xf32, #tpu.memory_space<hbm>>) target_semaphore(%arg12 : memref<!tpu.dma_semaphore, #tpu.memory_space<semaphore_mem>>)
      %ge3A_241 = arith.constant 3 : i32
      %ge3A_242 = arith.cmpi sge, %add3A_211, %ge3A_241 : i32
      %convert_element_type3A_243 = arith.extui %ge3A_242 : i1 to i32
      %cond3A_244 = arith.constant 0 : i32
      %cond3A_245 = arith.cmpi ne, %convert_element_type3A_243, %cond3A_244 : i32
      scf.if %cond3A_245 {
        %dma_wait3A_294 = arith.constant 0 : i32
        %dma_wait3A_295 = arith.constant 0 : i32
        %dma_wait3A_296 = arith.constant 0 : i32
        %dma_wait3A_297 = tpu.memref_slice %arg7[%dma_wait3A_294, %dma_wait3A_295, %dma_wait3A_296] : memref<5x128x128xf32, #tpu.memory_space<vmem>> -> memref<1x128x128xf32, #tpu.memory_space<vmem>>
        %dma_wait3A_298 = tpu.memref_squeeze %dma_wait3A_297 : memref<1x128x128xf32, #tpu.memory_space<vmem>> -> memref<128x128xf32, #tpu.memory_space<vmem>>
        %dma_wait3A_299 = arith.constant 0 : i32
        %dma_wait3A_300 = arith.constant 0 : i32
        %dma_wait3A_301 = tpu.memref_slice %arg4[%add3A, %dma_wait3A_299, %dma_wait3A_300] : memref<32x25600x128xf32, #tpu.memory_space<hbm>> -> memref<1x128x128xf32, #tpu.memory_space<hbm>>
        %dma_wait3A_302 = tpu.memref_squeeze %dma_wait3A_301 : memref<1x128x128xf32, #tpu.memory_space<hbm>> -> memref<128x128xf32, #tpu.memory_space<hbm>>
        %dma_wait3A_303 = arith.constant 0 : i32
        %dma_wait3A_304 = arith.constant 0 : i32
        %dma_wait3A_305 = tpu.memref_slice %arg4[%add3A, %dma_wait3A_303, %dma_wait3A_304] : memref<32x25600x128xf32, #tpu.memory_space<hbm>> -> memref<1x128x128xf32, #tpu.memory_space<hbm>>
        %dma_wait3A_306 = tpu.memref_squeeze %dma_wait3A_305 : memref<1x128x128xf32, #tpu.memory_space<hbm>> -> memref<128x128xf32, #tpu.memory_space<hbm>>
        %dma_wait3A_307 = arith.constant 0 : i32
        %dma_wait3A_308 = arith.constant 0 : i32
        %dma_wait3A_309 = tpu.memref_slice %arg7[%dma_wait3A_294, %dma_wait3A_307, %dma_wait3A_308] : memref<5x128x128xf32, #tpu.memory_space<vmem>> -> memref<1x128x128xf32, #tpu.memory_space<vmem>>
        %dma_wait3A_310 = tpu.memref_squeeze %dma_wait3A_309 : memref<1x128x128xf32, #tpu.memory_space<vmem>> -> memref<128x128xf32, #tpu.memory_space<vmem>>
        tpu.wait_dma2 semaphore(%arg9 : memref<!tpu.dma_semaphore, #tpu.memory_space<semaphore_mem>>) src(%dma_wait3A_310 : memref<128x128xf32, #tpu.memory_space<vmem>>) dst(%dma_wait3A_306 : memref<128x128xf32, #tpu.memory_space<hbm>>)
      } else {
      }
      %lt3A_246 = arith.constant 198 : i32
      %lt3A_247 = arith.cmpi slt, %add3A_211, %lt3A_246 : i32
      %convert_element_type3A_248 = arith.extui %lt3A_247 : i1 to i32
      %cond3A_249 = arith.constant 0 : i32
      %cond3A_250 = arith.cmpi ne, %convert_element_type3A_248, %cond3A_249 : i32
      scf.if %cond3A_250 {
        %add3A_294 = arith.constant 2 : i32
        %add3A_295 = arith.addi %add3A_211, %add3A_294 : i32
        %dma_start3A_296 = arith.constant 0 : i32
        %dma_start3A_297 = arith.constant 0 : i32
        %dma_start3A_298 = arith.constant 0 : i32
        %dma_start3A_299 = tpu.memref_slice %arg7[%dma_start3A_296, %dma_start3A_297, %dma_start3A_298] : memref<5x128x128xf32, #tpu.memory_space<vmem>> -> memref<1x128x128xf32, #tpu.memory_space<vmem>>
        %dma_start3A_300 = tpu.memref_squeeze %dma_start3A_299 : memref<1x128x128xf32, #tpu.memory_space<vmem>> -> memref<128x128xf32, #tpu.memory_space<vmem>>
        %dma_start3A_301 = arith.constant 0 : i32
        %dma_start3A_302 = tpu.memref_slice %arg6[%add3A_295, %dma_start3A_301] : memref<200x128xi32, #tpu.memory_space<vmem>> -> memref<1x128xi32, #tpu.memory_space<vmem>>
        %dma_start3A_303 = tpu.memref_squeeze %dma_start3A_302 : memref<1x128xi32, #tpu.memory_space<vmem>> -> memref<128xi32, #tpu.memory_space<vmem>>
        %dma_start3A_304 = arith.constant 0 : i32
        %dma_start3A_305 = arith.constant 0 : i32
        %dma_start3A_306 = tpu.memref_slice %arg5[%dma_start3A_304, %dma_start3A_305] : memref<40x128xf32, #tpu.memory_space<vmem_shared>> -> memref<40x128xf32, #tpu.memory_space<vmem_shared>>
        tpu.enqueue_indirect_dma source(%dma_start3A_306 : memref<40x128xf32, #tpu.memory_space<vmem_shared>>) target(%dma_start3A_300 : memref<128x128xf32, #tpu.memory_space<vmem>>) offsets(%dma_start3A_303 : memref<128xi32, #tpu.memory_space<vmem>>) semaphore(%arg8 : memref<!tpu.dma_semaphore, #tpu.memory_space<semaphore_mem>>)
      } else {
      }
      %mul3A_251 = arith.constant 5 : i32
      %mul3A_252 = arith.muli %mul3A_251, %scan3A_80 : i32
      %add3A_253 = arith.constant 4 : i32
      %add3A_254 = arith.addi %mul3A_252, %add3A_253 : i32
      %dma_wait3A_255 = arith.constant 0 : i32
      %dma_wait3A_256 = arith.constant 4 : i32
      %dma_wait3A_257 = arith.constant 0 : i32
      %dma_wait3A_258 = arith.constant 0 : i32
      %dma_wait3A_259 = tpu.memref_slice %arg7[%dma_wait3A_256, %dma_wait3A_257, %dma_wait3A_258] : memref<5x128x128xf32, #tpu.memory_space<vmem>> -> memref<1x128x128xf32, #tpu.memory_space<vmem>>
      %dma_wait3A_260 = tpu.memref_squeeze %dma_wait3A_259 : memref<1x128x128xf32, #tpu.memory_space<vmem>> -> memref<128x128xf32, #tpu.memory_space<vmem>>
      %dma_wait3A_261 = arith.constant 0 : i32
      %dma_wait3A_262 = tpu.memref_slice %arg6[%dma_wait3A_255, %dma_wait3A_261] : memref<200x128xi32, #tpu.memory_space<vmem>> -> memref<1x128xi32, #tpu.memory_space<vmem>>
      %dma_wait3A_263 = tpu.memref_squeeze %dma_wait3A_262 : memref<1x128xi32, #tpu.memory_space<vmem>> -> memref<128xi32, #tpu.memory_space<vmem>>
      %dma_wait3A_264 = arith.constant 0 : i32
      %dma_wait3A_265 = arith.constant 0 : i32
      %dma_wait3A_266 = tpu.memref_slice %arg5[%dma_wait3A_264, %dma_wait3A_265] : memref<40x128xf32, #tpu.memory_space<vmem_shared>> -> memref<40x128xf32, #tpu.memory_space<vmem_shared>>
      tpu.wait_indirect_dma semaphore(%arg8 : memref<!tpu.dma_semaphore, #tpu.memory_space<semaphore_mem>>) src(%dma_wait3A_266 : memref<40x128xf32, #tpu.memory_space<vmem_shared>>) dst(%dma_wait3A_260 : memref<128x128xf32, #tpu.memory_space<vmem>>)
      %mul3A_267 = arith.constant 128 : i32
      %mul3A_268 = arith.muli %add3A_254, %mul3A_267 : i32
      %dma_start3A_269 = arith.constant 4 : i32
      %dma_start3A_270 = arith.constant 0 : i32
      %dma_start3A_271 = arith.constant 0 : i32
      %dma_start3A_272 = tpu.memref_slice %arg7[%dma_start3A_269, %dma_start3A_270, %dma_start3A_271] : memref<5x128x128xf32, #tpu.memory_space<vmem>> -> memref<1x128x128xf32, #tpu.memory_space<vmem>>
      %dma_start3A_273 = tpu.memref_squeeze %dma_start3A_272 : memref<1x128x128xf32, #tpu.memory_space<vmem>> -> memref<128x128xf32, #tpu.memory_space<vmem>>
      %dma_start3A_274 = arith.constant 0 : i32
      %dma_start3A_275 = tpu.memref_slice %arg4[%add3A, %mul3A_268, %dma_start3A_274] : memref<32x25600x128xf32, #tpu.memory_space<hbm>> -> memref<1x128x128xf32, #tpu.memory_space<hbm>>
      %dma_start3A_276 = tpu.memref_squeeze %dma_start3A_275 : memref<1x128x128xf32, #tpu.memory_space<hbm>> -> memref<128x128xf32, #tpu.memory_space<hbm>>
      %dma_start3A_277 = arith.constant 0 : i32
      %dma_start3A_278 = tpu.memref_slice %arg4[%add3A, %mul3A_268, %dma_start3A_277] : memref<32x25600x128xf32, #tpu.memory_space<hbm>> -> memref<1x128x128xf32, #tpu.memory_space<hbm>>
      %dma_start3A_279 = tpu.memref_squeeze %dma_start3A_278 : memref<1x128x128xf32, #tpu.memory_space<hbm>> -> memref<128x128xf32, #tpu.memory_space<hbm>>
      %dma_start3A_280 = arith.constant 0 : i32
      %dma_start3A_281 = arith.constant 0 : i32
      %dma_start3A_282 = tpu.memref_slice %arg7[%dma_start3A_269, %dma_start3A_280, %dma_start3A_281] : memref<5x128x128xf32, #tpu.memory_space<vmem>> -> memref<1x128x128xf32, #tpu.memory_space<vmem>>
      %dma_start3A_283 = tpu.memref_squeeze %dma_start3A_282 : memref<1x128x128xf32, #tpu.memory_space<vmem>> -> memref<128x128xf32, #tpu.memory_space<vmem>>
      tpu.enqueue_dma source(%dma_start3A_283 : memref<128x128xf32, #tpu.memory_space<vmem>>) target(%dma_start3A_279 : memref<128x128xf32, #tpu.memory_space<hbm>>) target_semaphore(%arg13 : memref<!tpu.dma_semaphore, #tpu.memory_space<semaphore_mem>>)
      %ge3A_284 = arith.constant 3 : i32
      %ge3A_285 = arith.cmpi sge, %add3A_254, %ge3A_284 : i32
      %convert_element_type3A_286 = arith.extui %ge3A_285 : i1 to i32
      %cond3A_287 = arith.constant 0 : i32
      %cond3A_288 = arith.cmpi ne, %convert_element_type3A_286, %cond3A_287 : i32
      scf.if %cond3A_288 {
        %dma_wait3A_294 = arith.constant 1 : i32
        %dma_wait3A_295 = arith.constant 0 : i32
        %dma_wait3A_296 = arith.constant 0 : i32
        %dma_wait3A_297 = tpu.memref_slice %arg7[%dma_wait3A_294, %dma_wait3A_295, %dma_wait3A_296] : memref<5x128x128xf32, #tpu.memory_space<vmem>> -> memref<1x128x128xf32, #tpu.memory_space<vmem>>
        %dma_wait3A_298 = tpu.memref_squeeze %dma_wait3A_297 : memref<1x128x128xf32, #tpu.memory_space<vmem>> -> memref<128x128xf32, #tpu.memory_space<vmem>>
        %dma_wait3A_299 = arith.constant 0 : i32
        %dma_wait3A_300 = arith.constant 0 : i32
        %dma_wait3A_301 = tpu.memref_slice %arg4[%add3A, %dma_wait3A_299, %dma_wait3A_300] : memref<32x25600x128xf32, #tpu.memory_space<hbm>> -> memref<1x128x128xf32, #tpu.memory_space<hbm>>
        %dma_wait3A_302 = tpu.memref_squeeze %dma_wait3A_301 : memref<1x128x128xf32, #tpu.memory_space<hbm>> -> memref<128x128xf32, #tpu.memory_space<hbm>>
        %dma_wait3A_303 = arith.constant 0 : i32
        %dma_wait3A_304 = arith.constant 0 : i32
        %dma_wait3A_305 = tpu.memref_slice %arg4[%add3A, %dma_wait3A_303, %dma_wait3A_304] : memref<32x25600x128xf32, #tpu.memory_space<hbm>> -> memref<1x128x128xf32, #tpu.memory_space<hbm>>
        %dma_wait3A_306 = tpu.memref_squeeze %dma_wait3A_305 : memref<1x128x128xf32, #tpu.memory_space<hbm>> -> memref<128x128xf32, #tpu.memory_space<hbm>>
        %dma_wait3A_307 = arith.constant 0 : i32
        %dma_wait3A_308 = arith.constant 0 : i32
        %dma_wait3A_309 = tpu.memref_slice %arg7[%dma_wait3A_294, %dma_wait3A_307, %dma_wait3A_308] : memref<5x128x128xf32, #tpu.memory_space<vmem>> -> memref<1x128x128xf32, #tpu.memory_space<vmem>>
        %dma_wait3A_310 = tpu.memref_squeeze %dma_wait3A_309 : memref<1x128x128xf32, #tpu.memory_space<vmem>> -> memref<128x128xf32, #tpu.memory_space<vmem>>
        tpu.wait_dma2 semaphore(%arg10 : memref<!tpu.dma_semaphore, #tpu.memory_space<semaphore_mem>>) src(%dma_wait3A_310 : memref<128x128xf32, #tpu.memory_space<vmem>>) dst(%dma_wait3A_306 : memref<128x128xf32, #tpu.memory_space<hbm>>)
      } else {
      }
      %lt3A_289 = arith.constant 198 : i32
      %lt3A_290 = arith.cmpi slt, %add3A_254, %lt3A_289 : i32
      %convert_element_type3A_291 = arith.extui %lt3A_290 : i1 to i32
      %cond3A_292 = arith.constant 0 : i32
      %cond3A_293 = arith.cmpi ne, %convert_element_type3A_291, %cond3A_292 : i32
      scf.if %cond3A_293 {
        %add3A_294 = arith.constant 2 : i32
        %add3A_295 = arith.addi %add3A_254, %add3A_294 : i32
        %dma_start3A_296 = arith.constant 1 : i32
        %dma_start3A_297 = arith.constant 0 : i32
        %dma_start3A_298 = arith.constant 0 : i32
        %dma_start3A_299 = tpu.memref_slice %arg7[%dma_start3A_296, %dma_start3A_297, %dma_start3A_298] : memref<5x128x128xf32, #tpu.memory_space<vmem>> -> memref<1x128x128xf32, #tpu.memory_space<vmem>>
        %dma_start3A_300 = tpu.memref_squeeze %dma_start3A_299 : memref<1x128x128xf32, #tpu.memory_space<vmem>> -> memref<128x128xf32, #tpu.memory_space<vmem>>
        %dma_start3A_301 = arith.constant 0 : i32
        %dma_start3A_302 = tpu.memref_slice %arg6[%add3A_295, %dma_start3A_301] : memref<200x128xi32, #tpu.memory_space<vmem>> -> memref<1x128xi32, #tpu.memory_space<vmem>>
        %dma_start3A_303 = tpu.memref_squeeze %dma_start3A_302 : memref<1x128xi32, #tpu.memory_space<vmem>> -> memref<128xi32, #tpu.memory_space<vmem>>
        %dma_start3A_304 = arith.constant 0 : i32
        %dma_start3A_305 = arith.constant 0 : i32
        %dma_start3A_306 = tpu.memref_slice %arg5[%dma_start3A_304, %dma_start3A_305] : memref<40x128xf32, #tpu.memory_space<vmem_shared>> -> memref<40x128xf32, #tpu.memory_space<vmem_shared>>
        tpu.enqueue_indirect_dma source(%dma_start3A_306 : memref<40x128xf32, #tpu.memory_space<vmem_shared>>) target(%dma_start3A_300 : memref<128x128xf32, #tpu.memory_space<vmem>>) offsets(%dma_start3A_303 : memref<128xi32, #tpu.memory_space<vmem>>) semaphore(%arg8 : memref<!tpu.dma_semaphore, #tpu.memory_space<semaphore_mem>>)
      } else {
      }
    }
    %scan3A_29 = arith.constant 40 : i32
    %dma_wait3A = arith.constant 2 : i32
    %dma_wait3A_30 = arith.constant 0 : i32
    %dma_wait3A_31 = arith.constant 0 : i32
    %dma_wait3A_32 = tpu.memref_slice %arg7[%dma_wait3A, %dma_wait3A_30, %dma_wait3A_31] : memref<5x128x128xf32, #tpu.memory_space<vmem>> -> memref<1x128x128xf32, #tpu.memory_space<vmem>>
    %dma_wait3A_33 = tpu.memref_squeeze %dma_wait3A_32 : memref<1x128x128xf32, #tpu.memory_space<vmem>> -> memref<128x128xf32, #tpu.memory_space<vmem>>
    %dma_wait3A_34 = arith.constant 0 : i32
    %dma_wait3A_35 = arith.constant 0 : i32
    %dma_wait3A_36 = tpu.memref_slice %arg4[%add3A, %dma_wait3A_34, %dma_wait3A_35] : memref<32x25600x128xf32, #tpu.memory_space<hbm>> -> memref<1x128x128xf32, #tpu.memory_space<hbm>>
    %dma_wait3A_37 = tpu.memref_squeeze %dma_wait3A_36 : memref<1x128x128xf32, #tpu.memory_space<hbm>> -> memref<128x128xf32, #tpu.memory_space<hbm>>
    %dma_wait3A_38 = arith.constant 0 : i32
    %dma_wait3A_39 = arith.constant 0 : i32
    %dma_wait3A_40 = tpu.memref_slice %arg4[%add3A, %dma_wait3A_38, %dma_wait3A_39] : memref<32x25600x128xf32, #tpu.memory_space<hbm>> -> memref<1x128x128xf32, #tpu.memory_space<hbm>>
    %dma_wait3A_41 = tpu.memref_squeeze %dma_wait3A_40 : memref<1x128x128xf32, #tpu.memory_space<hbm>> -> memref<128x128xf32, #tpu.memory_space<hbm>>
    %dma_wait3A_42 = arith.constant 0 : i32
    %dma_wait3A_43 = arith.constant 0 : i32
    %dma_wait3A_44 = tpu.memref_slice %arg7[%dma_wait3A, %dma_wait3A_42, %dma_wait3A_43] : memref<5x128x128xf32, #tpu.memory_space<vmem>> -> memref<1x128x128xf32, #tpu.memory_space<vmem>>
    %dma_wait3A_45 = tpu.memref_squeeze %dma_wait3A_44 : memref<1x128x128xf32, #tpu.memory_space<vmem>> -> memref<128x128xf32, #tpu.memory_space<vmem>>
    tpu.wait_dma2 semaphore(%arg11 : memref<!tpu.dma_semaphore, #tpu.memory_space<semaphore_mem>>) src(%dma_wait3A_45 : memref<128x128xf32, #tpu.memory_space<vmem>>) dst(%dma_wait3A_41 : memref<128x128xf32, #tpu.memory_space<hbm>>)
    %dma_wait3A_46 = arith.constant 3 : i32
    %dma_wait3A_47 = arith.constant 0 : i32
    %dma_wait3A_48 = arith.constant 0 : i32
    %dma_wait3A_49 = tpu.memref_slice %arg7[%dma_wait3A_46, %dma_wait3A_47, %dma_wait3A_48] : memref<5x128x128xf32, #tpu.memory_space<vmem>> -> memref<1x128x128xf32, #tpu.memory_space<vmem>>
    %dma_wait3A_50 = tpu.memref_squeeze %dma_wait3A_49 : memref<1x128x128xf32, #tpu.memory_space<vmem>> -> memref<128x128xf32, #tpu.memory_space<vmem>>
    %dma_wait3A_51 = arith.constant 0 : i32
    %dma_wait3A_52 = arith.constant 0 : i32
    %dma_wait3A_53 = tpu.memref_slice %arg4[%add3A, %dma_wait3A_51, %dma_wait3A_52] : memref<32x25600x128xf32, #tpu.memory_space<hbm>> -> memref<1x128x128xf32, #tpu.memory_space<hbm>>
    %dma_wait3A_54 = tpu.memref_squeeze %dma_wait3A_53 : memref<1x128x128xf32, #tpu.memory_space<hbm>> -> memref<128x128xf32, #tpu.memory_space<hbm>>
    %dma_wait3A_55 = arith.constant 0 : i32
    %dma_wait3A_56 = arith.constant 0 : i32
    %dma_wait3A_57 = tpu.memref_slice %arg4[%add3A, %dma_wait3A_55, %dma_wait3A_56] : memref<32x25600x128xf32, #tpu.memory_space<hbm>> -> memref<1x128x128xf32, #tpu.memory_space<hbm>>
    %dma_wait3A_58 = tpu.memref_squeeze %dma_wait3A_57 : memref<1x128x128xf32, #tpu.memory_space<hbm>> -> memref<128x128xf32, #tpu.memory_space<hbm>>
    %dma_wait3A_59 = arith.constant 0 : i32
    %dma_wait3A_60 = arith.constant 0 : i32
    %dma_wait3A_61 = tpu.memref_slice %arg7[%dma_wait3A_46, %dma_wait3A_59, %dma_wait3A_60] : memref<5x128x128xf32, #tpu.memory_space<vmem>> -> memref<1x128x128xf32, #tpu.memory_space<vmem>>
    %dma_wait3A_62 = tpu.memref_squeeze %dma_wait3A_61 : memref<1x128x128xf32, #tpu.memory_space<vmem>> -> memref<128x128xf32, #tpu.memory_space<vmem>>
    tpu.wait_dma2 semaphore(%arg12 : memref<!tpu.dma_semaphore, #tpu.memory_space<semaphore_mem>>) src(%dma_wait3A_62 : memref<128x128xf32, #tpu.memory_space<vmem>>) dst(%dma_wait3A_58 : memref<128x128xf32, #tpu.memory_space<hbm>>)
    %dma_wait3A_63 = arith.constant 4 : i32
    %dma_wait3A_64 = arith.constant 0 : i32
    %dma_wait3A_65 = arith.constant 0 : i32
    %dma_wait3A_66 = tpu.memref_slice %arg7[%dma_wait3A_63, %dma_wait3A_64, %dma_wait3A_65] : memref<5x128x128xf32, #tpu.memory_space<vmem>> -> memref<1x128x128xf32, #tpu.memory_space<vmem>>
    %dma_wait3A_67 = tpu.memref_squeeze %dma_wait3A_66 : memref<1x128x128xf32, #tpu.memory_space<vmem>> -> memref<128x128xf32, #tpu.memory_space<vmem>>
    %dma_wait3A_68 = arith.constant 0 : i32
    %dma_wait3A_69 = arith.constant 0 : i32
    %dma_wait3A_70 = tpu.memref_slice %arg4[%add3A, %dma_wait3A_68, %dma_wait3A_69] : memref<32x25600x128xf32, #tpu.memory_space<hbm>> -> memref<1x128x128xf32, #tpu.memory_space<hbm>>
    %dma_wait3A_71 = tpu.memref_squeeze %dma_wait3A_70 : memref<1x128x128xf32, #tpu.memory_space<hbm>> -> memref<128x128xf32, #tpu.memory_space<hbm>>
    %dma_wait3A_72 = arith.constant 0 : i32
    %dma_wait3A_73 = arith.constant 0 : i32
    %dma_wait3A_74 = tpu.memref_slice %arg4[%add3A, %dma_wait3A_72, %dma_wait3A_73] : memref<32x25600x128xf32, #tpu.memory_space<hbm>> -> memref<1x128x128xf32, #tpu.memory_space<hbm>>
    %dma_wait3A_75 = tpu.memref_squeeze %dma_wait3A_74 : memref<1x128x128xf32, #tpu.memory_space<hbm>> -> memref<128x128xf32, #tpu.memory_space<hbm>>
    %dma_wait3A_76 = arith.constant 0 : i32
    %dma_wait3A_77 = arith.constant 0 : i32
    %dma_wait3A_78 = tpu.memref_slice %arg7[%dma_wait3A_63, %dma_wait3A_76, %dma_wait3A_77] : memref<5x128x128xf32, #tpu.memory_space<vmem>> -> memref<1x128x128xf32, #tpu.memory_space<vmem>>
    %dma_wait3A_79 = tpu.memref_squeeze %dma_wait3A_78 : memref<1x128x128xf32, #tpu.memory_space<vmem>> -> memref<128x128xf32, #tpu.memory_space<vmem>>
    tpu.wait_dma2 semaphore(%arg13 : memref<!tpu.dma_semaphore, #tpu.memory_space<semaphore_mem>>) src(%dma_wait3A_79 : memref<128x128xf32, #tpu.memory_space<vmem>>) dst(%dma_wait3A_75 : memref<128x128xf32, #tpu.memory_space<hbm>>)
    return
  }
}

</mosaic_0001>

<sc_bundles>
// kernel: kernel.3.cloned.1.call-start
scs
__scs_entry_jumppad:
0x0: {  	(pc) =	sbr.rel $0x88, $3  }
0x1: {  	(tag) =	ssettag $0x0;
	lr =	simm.s32 $0x1  }
0x2: {  	[smem:$0x3F9F] =	sst lr;
	_ =	strace $0xD0000000  }
0x3: {  	_ = 	snop  }
0x4: {  	_ = 	snop  }
0x5: {  	_ = 	snop  }
0x6: {  	_ = 	snop  }
0x7: {  	_ = 	snop  }
__scs_overlays_trampoline_lowered:
0x8: {  	[smem:$0x3FAE] =	sst s0  }
0x9: {  	[smem:$0x3FAF] =	sst s1  }
0xa: {  	[smem:$0x3FB0] =	sst s2  }
0xb: {  	[smem:$0x3FB1] =	sst s3  }
0xc: {  	[smem:$0x3FB2] =	sst s4  }
0xd: {  	[smem:$0x3FB3] =	sst s5  }
0xe: {  	[smem:$0x3FB4] =	sst s6  }
0xf: {  	[smem:$0x3FB5] =	sst s7  }
0x10: {  	[smem:$0x3FB6] =	sst s8  }
0x11: {  	[smem:$0x3FB7] =	sst s9;
	s0 =	simm.s32 @!p0 $0x0  }
0x12: {  	s1 =	sld [smem:$0x3F9D];
	s0 =	simm.s32 @p0 $0x1  }
0x13: {  	[smem:$0x3FB8] =	sst s0;
	s0 =	simm.s32 @!p1 $0x0  }
0x14: {  	s2 =	sld [smem:$0x3F9C];
	s0 =	simm.s32 @p1 $0x1  }
0x15: {  	[smem:$0x3FB9] =	sst s0;
	s0 =	simm.s32 @!p2 $0x0  }
0x16: {  	s3 =	sld [smem:$0x3FDB];
	s0 =	simm.s32 @p2 $0x1  }
0x17: {  	s4 =	simm.s32 $0x1BF5;
	[smem:$0x3FBB] =	sst s0  }
0x18: {  	s0 =	sld [smem:$0x3F9E];
	_ =	swait.ge [sflag:s4], $0x0  }
0x19: {  	s7 =	sld [smem:$0x3F9F]  }
0x1a: {  	s8 =	sadd.s32 $0xFFFFE003, lr  }
0x1b: {  	s9 =	sadd.s32 $0xFFFFFEF7, lr;
	s5 =	simm.s32 $0xFFFFFFFF;
	p2 =	slt.u32 s8, $0xFFFFF086  }
0x1c: {  	p1 =	slt.u32 s9, $0xF7A;
	s5 =	simm.s32 @!p2 $0x0  }
0x1d: {  	s5 =	simm.s32 @p1 $0x1;
	p0 =	seq.s32 s7, s2  }
0x1e: {  	s7 =	smul.u32 @!p0 $0xF7A, s2;
	p2 =	seq.s32 @!p0 s5, $0x0  }
0x1f: {  	s9 =	smul.u32 $0xF7A, s1;
	s8 =	simm.s32 @!p0 $0x1BF5;
	p2 =	por !p2, p0  }
0x20: {  	[sflag:s8] =	ssyncset.s32 @!p0 $0xFFFFF086;
	s6 =	sadd.s32 @!p0 s3, s7;
	s7 =	simm.s32 @!p0 $0x108  }
0x21: {  	s3 =	sadd.s32 s3, s9;
	s6 =	sadd.s32 @!p0 $0x88, s6;
	s7 =	simm.s32 @p2 $0x1082  }
0x22: {  	[simem:s7], [sflag:s8] =	dma.local @!p0 [hbm:s6], $0xF7A  }
0x23: {  	s9 =	sor.u32 $0xD0000000, s2;
	s6 =	simm.s32 $0x108;
	_ =	swait.ge @!p0 [sflag:s8], $0x0  }
0x24: {  	s3 =	sadd.s32 $0x88, s3;
	s6 =	simm.s32 @!p1 $0x1082;
	[sflag:s4] =	ssyncset.s32 $0xFFFFF086  }
0x25: {  	[simem:s6], [sflag:s4] =	dma.local [hbm:s3], $0xF7A  }
0x26: {  	[smem:$0x3F9F] =	sst s1;
	(tag) =	ssettag s2;
	_ =	strace s9  }
0x27: {  	s1 =	sld [smem:$0x3FAF]  }
0x28: {  	s2 =	sld [smem:$0x3FB0]  }
0x29: {  	s4 =	sld [smem:$0x3FB2]  }
0x2a: {  	p0 =	seq.s32 s5, $0x0;
	s5 =	sld [smem:$0x3FB3]  }
0x2b: {  	s6 =	sld [smem:$0x3FB4]  }
0x2c: {  	s7 =	sld [smem:$0x3FB5]  }
0x2d: {  	s3 =	simm.s32 $0x108;
	s8 =	sld [smem:$0x3FB6]  }
0x2e: {  	s3 =	simm.s32 @!p0 $0x1082;
	s9 =	sld [smem:$0x3FB7]  }
0x2f: {  	lr =	sadd.s32 s0, s3;
	s0 =	sld [smem:$0x3FAE]  }
0x30: {  	s3 =	sld [smem:$0x3FB1]  }
0x31: {  	[smem:$0x3FBA] =	sst s10  }
0x32: {  	s10 =	sld [smem:$0x3FB8];
	_ =	sdelay $0x3  }
0x33: {  	p0 =	seq.s32 s10, $0x1;
	s10 =	sld [smem:$0x3FBA];
	_ =	sdelay $0x3  }
0x34: {  	[smem:$0x3FBA] =	sst s10  }
0x35: {  	s10 =	sld [smem:$0x3FB9];
	_ =	sdelay $0x3  }
0x36: {  	p1 =	seq.s32 s10, $0x1;
	s10 =	sld [smem:$0x3FBA];
	_ =	sdelay $0x3  }
0x37: {  	[smem:$0x3FBA] =	sst s10  }
0x38: {  	s10 =	sld [smem:$0x3FBB]  }
0x39: {  	_ = 	snop;
	(pc) =	sbr.ind lr, $3  }
0x3a: {  	_ = 	snop  }
0x3b: {  	_ = 	snop  }
0x3c: {  	p2 =	seq.s32 s10, $0x1;
	s10 =	sld [smem:$0x3FBA]  }
0x3d: {  	_ =	shalt  }
0x3e: {  	_ =	shalt  }
0x3f: {  	_ =	shalt  }
0x40: {  	_ =	shalt  }
0x41: {  	_ =	shalt  }
0x42: {  	_ =	shalt  }
0x43: {  	_ =	shalt  }
0x44: {  	_ =	shalt  }
0x45: {  	_ =	shalt  }
0x46: {  	_ =	shalt  }
0x47: {  	_ =	shalt  }
0x48: {  	_ =	shalt  }
0x49: {  	_ =	shalt  }
0x4a: {  	_ =	shalt  }
0x4b: {  	_ =	shalt  }
0x4c: {  	_ =	shalt  }
0x4d: {  	_ =	shalt  }
0x4e: {  	_ =	shalt  }
0x4f: {  	_ =	shalt  }
0x50: {  	_ =	shalt  }
0x51: {  	_ =	shalt  }
0x52: {  	_ =	shalt  }
0x53: {  	_ =	shalt  }
0x54: {  	_ =	shalt  }
0x55: {  	_ =	shalt  }
0x56: {  	_ =	shalt  }
0x57: {  	_ =	shalt  }
0x58: {  	_ =	shalt  }
0x59: {  	_ =	shalt  }
0x5a: {  	_ =	shalt  }
0x5b: {  	_ =	shalt  }
0x5c: {  	_ =	shalt  }
0x5d: {  	_ =	shalt  }
0x5e: {  	_ =	shalt  }
0x5f: {  	_ =	shalt  }
0x60: {  	_ =	shalt  }
0x61: {  	_ =	shalt  }
0x62: {  	_ =	shalt  }
0x63: {  	_ =	shalt  }
0x64: {  	_ =	shalt  }
0x65: {  	_ =	shalt  }
0x66: {  	_ =	shalt  }
0x67: {  	_ =	shalt  }
0x68: {  	_ =	shalt  }
0x69: {  	_ =	shalt  }
0x6a: {  	_ =	shalt  }
0x6b: {  	_ =	shalt  }
0x6c: {  	_ =	shalt  }
0x6d: {  	_ =	shalt  }
0x6e: {  	_ =	shalt  }
0x6f: {  	_ =	shalt  }
0x70: {  	_ =	shalt  }
0x71: {  	_ =	shalt  }
0x72: {  	_ =	shalt  }
0x73: {  	_ =	shalt  }
0x74: {  	_ =	shalt  }
0x75: {  	_ =	shalt  }
0x76: {  	_ =	shalt  }
0x77: {  	_ =	shalt  }
0x78: {  	_ =	shalt  }
0x79: {  	_ =	shalt  }
0x7a: {  	_ =	shalt  }
0x7b: {  	_ =	shalt  }
0x7c: {  	_ =	shalt  }
0x7d: {  	_ =	shalt  }
0x7e: {  	_ =	shalt  }
0x7f: {  	_ =	shalt  }
0x80: {  	_ =	shalt  }
0x81: {  	_ =	shalt  }
0x82: {  	_ =	shalt  }
0x83: {  	_ =	shalt  }
0x84: {  	_ =	shalt  }
0x85: {  	_ =	shalt  }
0x86: {  	_ =	shalt  }
0x87: {  	_ =	shalt  }
.Lfunc_end0:
.L_simem_size_0:
called_computation_lowered:
.L_overlay_start_0:
0x88: {  	s2 =	sld [smem:$0x3FD9]  }
0x89: {  	s3 =	sld [smem:$0x3FFE];
	_ =	sdelay $0x1  }
0x8a: {  	s1 =	srdreg.scid  }
0x8b: {  	s0 =	sand.u32 $0x1, s1  }
0x8c: {  	s17 =	sshll.u32 s0, $0xA;
	s2 =	sadd.s32 s3, s2  }
0x8d: {  	s2 =	sadd.s32 s2, s17  }
0x8e: {  	[smem:$0x3FC6] =	sst s2  }
0x8f: {  	_ = 	snop  }
0x90: {  	s2 =	sld [smem:$0x3FC8]  }
0x91: {  	s18 =	sld [smem:$0x3FD0];
	(tm) =	ssettm $0x1  }
0x92: {  	s4 =	sld [smem:$0x3FFB];
	_ =	sdelay $0x3  }
0x93: {  	_ =	strace s4  }
0x94: {  	s4 =	sld [smem:$0x3FFC];
	_ =	sdelay $0x3  }
0x95: {  	_ =	strace s4  }
0x96: {  	s4 =	sld [smem:$0x3FFD];
	_ =	sdelay $0x3  }
0x97: {  	_ =	strace s4  }
0x98: {  	_ =	strace $0x8FFFFFFF  }
0x99: {  	s19 =	sld [smem:$0x3FDB];
	_ =	sdelay $0x1  }
0x9a: {  	s5 =	simm.s32 $_scs_section_size  }
0x9b: {  	s6 =	simm.s32 $_size__tile_overlayer_lowered;
	s7 =	simm.s32 $_tile_overlayer_lowered  }
0x9c: {  	s22 =	simm.s32 $0x1BFF;
	s21 =	sshll.u32 s7, $0x1;
	s4 =	sadd.s32 s5, s19  }
0x9d: {  	s8 =	simm.s32 $0x0;
	s20 =	sshll.u32 s6, $0x1;
	s6 =	sadd.s32 s21, s4  }
0x9e: {  	[timem:s8], [sflag:s22] =	dma.local [hbm:s6], s20  }
0x9f: {  	_ =	swait.ge [sflag:s22], s20  }
0xa0: {  	s5 =	ssub.s32 $0x0, s20;
	[sflag:s22] =	ssyncset.done $0x0  }
0xa1: {  	[sflag:s22] =	ssyncadd.s32 s5;
	_ =	sdelay $0x1  }
0xa2: {  	s23 =	simm.s32 $0x1B8B  }
0xa3: {  	_ =	swait.ge [sflag:s23], $0x1  }
0xa4: {  	[sflag:s23] =	ssyncset.done $0x0  }
0xa5: {  	s25 =	simm.s32 $0x1B8E;
	s24 =	sld [smem:$0x3FFE];
	[sflag:s23] =	ssyncadd.s32 $0xFFFFFFFF  }
0xa6: {  	s26 =	simm.s32 $execute0_lowered;
	[smem:$0x3FD2] =	sst s25  }
0xa7: {  	s6 =	sshll.u32 s26, $0x1;
	_ =	strace $0x80000046;
	[dreg:$0x1] =	wrdreg $0xFFFFFFFF  }
0xa8: {  	s28 =	simm.s32 $_size_execute0_lowered;
	s4 =	sadd.s32 s4, s6;
	[dreg:$0x0] =	wrdreg $0x0  }
0xa9: {  	s6 =	sshll.u32 s28, $0x1;
	[dreg:$0x2] =	wrdreg s4  }
0xaa: {  	[dreg:$0x3] =	wrdreg s6  }
0xab: {  	[dreg:$0x4] =	wrdreg $0xC0  }
0xac: {  	_ =	task [dreg:s8], $0x5FFFF  }
0xad: {  	[dreg:$0x1] =	wrdreg $0xFFFFFFFF  }
0xae: {  	[dreg:$0x0] =	wrdreg $0x60  }
0xaf: {  	[dreg:$0x2] =	wrdreg s2  }
0xb0: {  	[dreg:$0x3] =	wrdreg s24  }
0xb1: {  	[dreg:$0x4] =	wrdreg s18  }
0xb2: {  	[dreg:$0x5] =	wrdreg $0x0  }
0xb3: {  	[dreg:$0x6] =	wrdreg $0x9  }
0xb4: {  	_ =	task.clear_ibuf [dreg:s8], $0x7FFFF;
	_ =	strace $0x90000046  }
0xb5: {  	s29 =	simm.s32 $0x9;
	_ =	strace $0x80000048  }
0xb6: {  	_ =	swait.ge [sflag:s29], $0x1  }
0xb7: {  	[sflag:s29] =	ssyncadd.s32 $0xFFFFFFFF  }
0xb8: {  	_ =	strace $0x90000048  }
0xb9: {  	_ =	sfence  }
0xba: {  	s30 =	sld [smem:$0x0];
	_ =	sdelay $0x2  }
0xbb: {  	s31 =	sshll.u32 s1, $0xD;
	s1 =	sshrl.u32 s1, $0x2  }
0xbc: {  	s3 =	sand.u32 $0x4000, s31;
	s1 =	sadd.s32 s1, s30  }
0xbd: {  	s0 =	sor.u32 s3, s0;
	s1 =	sshll.u32 s1, $0x11  }
0xbe: {  	s0 =	sor.u32 s1, s0  }
0xbf: {  	s0 =	sadd.s32 $0x8F2B, s0  }
0xc0: {  	[sflag:s0] =	ssyncadd.remote.s32 $0x1  }
0xc1: {  	_ =	sfence.sel $0xFFFF  }
0xc2: {  	[dreg:$0x0] =	wrdreg $0xFFFFFFFF;
	(pc) =	sbr.abs _section_cstart, $3  }
0xc3: {  	[dreg:$0x1] =	wrdreg $0xFFFFFFFF  }
0xc4: {  	_ =	task.clear_ibuf [dreg:s8], $0x2FFFF;
	_ =	strace $0x9FFFFFFF  }
0xc5: {  	(tm) =	ssettm $0x7FFFFFFF  }
tec
execute0_lowered:
.L_overlay_start_1:
0x0: {  	(tag) =	ssettag $0x1  }
0x1: {  	s0 =	rddreg [dreg:$0x1]  }
0x2: {  	s4 =	rddreg [dreg:$0x2]  }
0x3: {  	s2 =	rddreg [dreg:$0x3]  }
0x4: {  	s1 =	srdreg.scid;
	s6 =	stileid.u32;
	s3 =	simm.s32 $0x0  }
0x5: {  	s12 =	simm.s32 $0x140;
	s13 =	simm.s32 $0x7;
	s14 =	simm.s32 $0x80  }
0x6: {  	s15 =	simm.s32 $0x6540;
	s17 =	simm.s32 $0xA540;
	s18 =	simm.s32 $0x1  }
0x7: {  	s19 =	simm.s32 $0xE540;
	s20 =	simm.s32 $0x12540;
	s21 =	simm.s32 $0x16540  }
0x8: {  	s22 =	simm.s32 $0x2;
	s23 =	simm.s32 $0x3;
	s24 =	simm.s32 $0x4  }
0x9: {  	s28 =	simm.s32 $0x0;
	s1 =	sand.u32 $0x1, s1;
	s5 =	sshll.u32 s6, $0x1  }
0xa: {  	s7 =	smul.u32 $0x640000, s6;
	[smem:$0x7FF] =	sst s3;
	p0 =	sne.s32 s6, $0x0  }
0xb: {  	s5 =	sor.u32 s1, s5;
	s8 =	smul.u32 $0x320000, s1;
	s1 =	ssub.s32 $0x2, s1  }
0xc: {  	_ =	strace $0x80000047;
	s5 =	smul.u32 $0xC80, s5;
	s9 =	sshrl.u32 s1, $0x1  }
0xd: {  	s11 =	sshrl.u32 @!p0 s2, $0x3;
	s7 =	sadd.s32 s8, s7;
	s1 =	ssub.s32 s1, s9  }
0xe: {  	s0 =	sadd.s32 s5, s0;
	s8 =	sor.u32 $0x10000, s7;
	s25 =	smax.u32 s1, $0x1  }
0xf: {  	s29 =	sor.u32 $0xC000, s7;
	s30 =	sor.u32 $0x8000, s7;
	s31 =	sor.u32 $0x4000, s7  }
0x10: {  	s7 =	sshrl.u32 s7, $0x3;
	s0 =	sadd.s32 $0x400, s0;
	[dreg:$0x6] =	wrdreg s25  }
.Ltmp0:
0x11: {  	s26 =	sshrl.u32 s8, $0x3;
	s8 =	sshrl.u32 s30, $0x3;
	(pc) =	sbr.rel .LBB2_1-.Ltmp0, $4  }
0x12: {  	s9 =	sshrl.u32 s31, $0x3;
	[dreg:$0x5] =	wrdreg s0;
	s0 =	sadd.s32 s26, s4  }
0x13: {  	s10 =	sadd.s32 s7, s4;
	[dreg:$0x7] =	wrdreg s0;
	s0 =	sshrl.u32 s29, $0x3  }
0x14: {  	s25 =	simm.s32 $0x5;
	s8 =	sadd.s32 s8, s4;
	s0 =	sadd.s32 s0, s4  }
0x15: {  	s9 =	sadd.s32 s9, s4;
	s26 =	simm.s32 $0x6;
	[dreg:$0x8] =	wrdreg s0  }
.LBB2_4:
0x16: {  	_ =	swait.ge [sflag:s24], $0x4000  }
0x17: {  	[sflag:s24] =	ssyncset.done $0x0  }
0x18: {  	[sflag:s24] =	ssyncadd.s32 $0xFFFFC000  }
0x19: {  	_ =	swait.ge [sflag:s25], $0x4000  }
0x1a: {  	[sflag:s25] =	ssyncset.done $0x0  }
0x1b: {  	[sflag:s25] =	ssyncadd.s32 $0xFFFFC000  }
0x1c: {  	_ =	swait.ge [sflag:s26], $0x4000  }
0x1d: {  	s28 =	sadd.s32 $0x1, s28;
	s0 =	rddreg [dreg:$0x6]  }
0x1e: {  	p1 =	sne.s32 s28, s0  }
.Ltmp1:
0x1f: {  	_ = 	snop;
	(pc) =	sbr.rel @!p1 .LBB2_5-.Ltmp1, $3  }
0x20: {  	_ =	sdelay $0x1  }
0x21: {  	[sflag:s26] =	ssyncset.done $0x0  }
0x22: {  	[sflag:s26] =	ssyncadd.s32 $0xFFFFC000  }
.LBB2_1:
0x23: {  	s4 =	simm.s32 @!p0 $0x1C07;
	s0 =	rddreg [dreg:$0x0]  }
0x24: {  	[spmem:s11], [sflag:s4] =	dma.local @!p0 [hbm:s0], $0x280  }
0x25: {  	s4 =	simm.s32 @!p0 $0x7  }
0x26: {  	_ =	swait.ge @!p0 [sflag:s4], $0x280  }
0x27: {  	[sflag:s4] =	ssyncset.done @!p0 $0x0  }
0x28: {  	s7 =	rddreg [dreg:$0x5];
	[sflag:s4] =	ssyncadd.s32 @!p0 $0xFFFFFD80  }
0x29: {  	[tilespmem:s12], [sflag:$0x7] =	stream.linear.gather [hbm4b:s7+s3], $0x6400, $0x38;
	[tilespmem:$0x1A540] =	vst v63  }
0x2a: {  	_ =	swait.ge [sflag:s13], $0x6400  }
0x2b: {  	[sflag:s13] =	ssyncset.done $0x0  }
0x2c: {  	[sflag:s13] =	ssyncadd.s32 $0xFFFF9C00  }
0x2d: {  	s16 =	simm.s32 $0x1C0;
	[bflag:$0x0] =	sbarrier.arrive $0xFFFF  }
0x2e: {  	[tilespmem:s15], [sflag:$0x1] =	stream.indirect.gather [spmem:s2], $0x80, s12, s14, $0xb8;
	[tilespmem:$0x1A540] =	vst v63  }
0x2f: {  	s29 =	smov.u32 s10;
	s30 =	smov.u32 s9;
	s7 =	rddreg [dreg:$0x8]  }
0x30: {  	[tilespmem:s17], [sflag:$0x1] =	stream.indirect.gather [spmem:s2], $0x80, s16, s14, $0xb8;
	[tilespmem:$0x1A540] =	vst v63  }
0x31: {  	s31 =	smov.u32 s8;
	s6 =	rddreg [dreg:$0x7];
	s16 =	simm.s32 $0x0  }
.LBB2_2:
0x32: {  	_ =	swait.ge [sflag:s18], $0x4000  }
0x33: {  	p1 =	seq.s32 s16, $0x0;
	[sflag:s18] =	ssyncset.done $0x0  }
0x34: {  	s5 =	simm.s32 @!p1 $0x4;
	[sflag:s18] =	ssyncadd.s32 $0xFFFFC000  }
0x35: {  	[hbm4b:s29+s3] =	stream.linear.scatter [tilespmem:s15], [sflag:$0x2], $0x4000, $0x38;
	[tilespmem:$0x1A540] =	vst v63  }
0x36: {  	_ =	swait.ge @!p1 [sflag:s5], $0x4000  }
0x37: {  	s4 =	sshra.s32 s16, $0x2;
	[sflag:s5] =	ssyncset.done @!p1 $0x0  }
0x38: {  	s1 =	sadd.s32 $0x240, s4;
	[sflag:s5] =	ssyncadd.s32 @!p1 $0xFFFFC000  }
0x39: {  	[tilespmem:s19], [sflag:$0x1] =	stream.indirect.gather [spmem:s2], $0x80, s1, s14, $0xb8;
	[tilespmem:$0x1A540] =	vst v63  }
0x3a: {  	_ =	swait.ge [sflag:s18], $0x4000  }
0x3b: {  	[sflag:s18] =	ssyncset.done $0x0  }
0x3c: {  	s5 =	simm.s32 @!p1 $0x5;
	[sflag:s18] =	ssyncadd.s32 $0xFFFFC000  }
0x3d: {  	[hbm4b:s30+s3] =	stream.linear.scatter [tilespmem:s17], [sflag:$0x3], $0x4000, $0x38;
	[tilespmem:$0x1A540] =	vst v63  }
0x3e: {  	_ =	swait.ge @!p1 [sflag:s5], $0x4000  }
0x3f: {  	[sflag:s5] =	ssyncset.done @!p1 $0x0  }
0x40: {  	s0 =	sadd.s32 $0x2C0, s4;
	[sflag:s5] =	ssyncadd.s32 @!p1 $0xFFFFC000  }
0x41: {  	[tilespmem:s20], [sflag:$0x1] =	stream.indirect.gather [spmem:s2], $0x80, s0, s14, $0xb8;
	[tilespmem:$0x1A540] =	vst v63  }
0x42: {  	_ =	swait.ge [sflag:s18], $0x4000  }
0x43: {  	[sflag:s18] =	ssyncset.done $0x0  }
0x44: {  	s5 =	simm.s32 @!p1 $0x6;
	[sflag:s18] =	ssyncadd.s32 $0xFFFFC000  }
0x45: {  	[hbm4b:s31+s3] =	stream.linear.scatter [tilespmem:s19], [sflag:$0x4], $0x4000, $0x38;
	[tilespmem:$0x1A540] =	vst v63  }
0x46: {  	_ =	swait.ge @!p1 [sflag:s5], $0x4000  }
0x47: {  	[sflag:s5] =	ssyncset.done @!p1 $0x0  }
0x48: {  	s1 =	sadd.s32 $0x340, s4;
	[sflag:s5] =	ssyncadd.s32 @!p1 $0xFFFFC000  }
0x49: {  	[tilespmem:s21], [sflag:$0x1] =	stream.indirect.gather [spmem:s2], $0x80, s1, s14, $0xb8;
	[tilespmem:$0x1A540] =	vst v63  }
0x4a: {  	_ =	swait.ge [sflag:s18], $0x4000  }
0x4b: {  	[sflag:s18] =	ssyncset.done $0x0  }
0x4c: {  	[sflag:s18] =	ssyncadd.s32 $0xFFFFC000  }
0x4d: {  	[hbm4b:s7+s3] =	stream.linear.scatter [tilespmem:s20], [sflag:$0x5], $0x4000, $0x38;
	[tilespmem:$0x1A540] =	vst v63  }
0x4e: {  	p1 =	seq.s32 s16, $0x18600;
	_ =	swait.ge [sflag:s22], $0x4000  }
0x4f: {  	s5 =	sshra.s32 @!p1 s16, $0x2;
	s1 =	simm.s32 @!p1 $0x80;
	[sflag:s22] =	ssyncset.done $0x0  }
0x50: {  	s0 =	simm.s32 @!p1 $0x6540;
	s5 =	sadd.s32 @!p1 $0x3C0, s5;
	[sflag:s22] =	ssyncadd.s32 $0xFFFFC000  }
0x51: {  	[tilespmem:s0], [sflag:$0x1] =	stream.indirect.gather @!p1 [spmem:s2], $0x80, s5, s1, $0xb8;
	[tilespmem:$0x1A540] =	vst v63  }
0x52: {  	_ =	swait.ge [sflag:s18], $0x4000  }
0x53: {  	[sflag:s18] =	ssyncset.done $0x0  }
.Ltmp2:
0x54: {  	[sflag:s18] =	ssyncadd.s32 $0xFFFFC000;
	(pc) =	sbr.rel @p1 .LBB2_4-.Ltmp2, $4  }
0x55: {  	[hbm4b:s6+s3] =	stream.linear.scatter [tilespmem:s21], [sflag:$0x6], $0x4000, $0x38;
	[tilespmem:$0x1A540] =	vst v63  }
0x56: {  	_ =	swait.ge [sflag:s23], $0x4000  }
0x57: {  	[sflag:s23] =	ssyncset.done $0x0  }
0x58: {  	[sflag:s23] =	ssyncadd.s32 $0xFFFFC000  }
.Ltmp3:
0x59: {  	(pc) =	sbr.rel .LBB2_2-.Ltmp3, $4  }
0x5a: {  	s0 =	sadd.s32 $0x440, s4  }
0x5b: {  	s16 =	sadd.s32 $0xA00, s16;
	s6 =	sadd.s32 $0x2800, s6;
	s7 =	sadd.s32 $0x2800, s7  }
0x5c: {  	s31 =	sadd.s32 $0x2800, s31;
	s30 =	sadd.s32 $0x2800, s30;
	s29 =	sadd.s32 $0x2800, s29  }
0x5d: {  	[tilespmem:s17], [sflag:$0x1] =	stream.indirect.gather [spmem:s2], $0x80, s0, s14, $0xb8;
	[tilespmem:$0x1A540] =	vst v63  }
.LBB2_5:
0x5e: {  	_ =	sfence.sel $0x180000  }
0x5f: {  	[bflag:$0x0] =	sbarrier.arrive $0xFFFF  }
0x60: {  	_ =	strace $0x90000047  }
0x61: {  	[bflag:$0x2] =	sbarrier.arrive $0xFFFF  }
0x62: {  	s0 =	rddreg [dreg:$0x4]  }
0x63: {  	s0 =	sadd.s32 @!p0 $0x100000, s0  }
0x64: {  	[sflag:s0] =	ssyncadd.tile.s32 @!p0 $0x1;
	_ =	shalt  }
.Lfunc_end2:
_tile_overlayer_lowered:
.L_overlay_start_2:
0x65: {  	(tag) =	ssettag $0x2  }
0x66: {  	s0 =	rddreg [dreg:$0x0];
	s2 =	stileid.u32  }
0x67: {  	s1 =	rddreg [dreg:$0x1];
	p0 =	sne.s32 s2, $0x0  }
0x68: {  	s3 =	rddreg [dreg:$0x2];
	[bflag:$0x3] =	sbarrier.arrive $0xFFFF;
	s2 =	simm.s32 @!p0 $0x1C07  }
0x69: {  	[timem:s3], [sflag:s2] =	dma.local @!p0 [hbm:s0], s1  }
0x6a: {  	s0 =	simm.s32 @!p0 $0x7  }
0x6b: {  	_ =	swait.ge @!p0 [sflag:s0], s1  }
0x6c: {  	s1 =	ssub.s32 @!p0 $0x0, s1;
	[sflag:s0] =	ssyncset.done @!p0 $0x0  }
0x6d: {  	[sflag:s0] =	ssyncadd.s32 @!p0 s1  }
0x6e: {  	[bflag:$0x3] =	sbarrier.arrive $0xFFFF  }
0x6f: {  	_ =	shalt  }

</sc_bundles>
